<compile_context>
chip_gen: v7x
topology: tpu7x:2x2x1
jax: 0.10.2.dev20260603
libtpu: 0.0.44.dev20260713+nightly
codegen_flags: <defaults>
</compile_context>

<pallas_src>
import functools

import jax
import jax.numpy as jnp
import numpy as np
from jax import lax
from jax.experimental import pallas as pl
from jax.experimental.pallas import tpu as pltpu
from jax.experimental.pallas import tpu_sc as plsc

EMB = 512
RELA = 8
T = 64
B = 64
NW = 32

_BS = np.minimum(B, 2 * (T - np.arange(T))).astype(np.int64)
N = int(_BS.sum())
_OFF = np.concatenate([[0], np.cumsum(_BS)[:-1]])
_SOFF = np.zeros(T, np.int64)
_acc = 0
for _t in range(T):
    _SOFF[_t] = _acc
    _acc = -(-(_acc + _BS[_t]) // 8) * 8
_TOTAL = int(_SOFF[-1] + B)
NPAD = -(-_TOTAL // (8 * NW)) * (8 * NW)
B_PER_W = NPAD // NW
_GXROWS = _TOTAL

_STAG2PACK = np.zeros(NPAD, np.int32)
_PACK2STAG = np.zeros(N, np.int32)
for _t in range(T):
    _b = np.arange(_BS[_t])
    _STAG2PACK[_SOFF[_t] + _b] = _OFF[_t] + _b
    _PACK2STAG[_OFF[_t] + _b] = _SOFF[_t] + _b
_IDENT = int(np.argmax(_PACK2STAG != np.arange(N)))


def _sc_gather(table, stc_v, r, s2p):
    mesh = plsc.VectorSubcoreMesh(core_axis_name="c", subcore_axis_name="s")

    @functools.partial(
        pl.kernel,
        mesh=mesh,
        out_type=(
            jax.ShapeDtypeStruct((NPAD, EMB), jnp.float32),
            jax.ShapeDtypeStruct((NPAD,), jnp.int32),
        ),
        scratch_types=[
            pltpu.VMEM((B_PER_W,), jnp.int32),
            pltpu.VMEM((B_PER_W,), jnp.int32),
            pltpu.VMEM((B_PER_W,), jnp.int32),
            pltpu.VMEM((B_PER_W, EMB), jnp.float32),
            pltpu.SemaphoreType.DMA,
            pltpu.SemaphoreType.DMA,
        ],
    )
    def gather_kernel(table_hbm, stc_hbm, r_hbm, s2p_hbm,
                      seq_hbm, rstag_hbm,
                      s2p_v, idx_v, r_v, rows_v, sem, sem2):
        wid = lax.axis_index("s") * 2 + lax.axis_index("c")
        base = wid * B_PER_W
        pltpu.sync_copy(s2p_hbm.at[pl.ds(base, B_PER_W)], s2p_v)
        idx_cp = pltpu.async_copy(stc_hbm.at[s2p_v], idx_v, sem)
        r_cp = pltpu.async_copy(r_hbm.at[s2p_v], r_v, sem2)
        idx_cp.wait()
        pltpu.async_copy(table_hbm.at[idx_v], rows_v, sem).wait()
        r_cp.wait()
        pltpu.sync_copy(rows_v, seq_hbm.at[pl.ds(base, B_PER_W)])
        pltpu.sync_copy(r_v, rstag_hbm.at[pl.ds(base, B_PER_W)])

    return gather_kernel(table, stc_v, r, s2p)


def _fused_body(soff_ref, seq_ref, r_ref, w_ref, b_ref, wih_ref, bias_ref,
                whh_ref, out_ref, gx_ref, h_ref, c_ref):
    step = pl.program_id(0)

    @pl.when(step < RELA)
    def _():
        mm = lax.dot_general(
            seq_ref[pl.ds(0, _GXROWS), :], w_ref[0],
            (((1,), (1,)), ((), ())),
            preferred_element_type=jnp.float32,
        ) + b_ref[0]
        mask = r_ref[pl.ds(0, _GXROWS), :] == step

        @pl.when(step == 0)
        def _():
            out_ref[pl.ds(0, _GXROWS), :] = jnp.where(
                mask, mm, seq_ref[pl.ds(0, _GXROWS), :])

        @pl.when(step > 0)
        def _():
            out_ref[pl.ds(0, _GXROWS), :] = jnp.where(
                mask, mm, out_ref[pl.ds(0, _GXROWS), :])

    @pl.when(step == RELA)
    def _():
        gx_ref[...] = (lax.dot_general(
            out_ref[pl.ds(0, _GXROWS), :], wih_ref[...],
            (((1,), (1,)), ((), ())),
            preferred_element_type=jnp.float32,
        ) + bias_ref[...]).astype(jnp.bfloat16)
        h_ref[...] = jnp.zeros_like(h_ref)
        c_ref[...] = jnp.zeros_like(c_ref)

    @pl.when(step == RELA + 1)
    def _():
        def lstm_step(t, carry):
            off = pl.multiple_of(soff_ref[t], 8)
            gxw = gx_ref[pl.ds(off, B), :]
            h = h_ref[...]

            def gate_block(k):
                gxT = jnp.transpose(
                    gxw[:, k * EMB:(k + 1) * EMB]).astype(jnp.float32)
                return gxT + lax.dot_general(
                    whh_ref[pl.ds(k * EMB, EMB), :], h,
                    (((1,), (0,)), ((), ())),
                    preferred_element_type=jnp.float32,
                )

            gi = jax.nn.sigmoid(gate_block(0))
            gf = jax.nn.sigmoid(gate_block(1))
            gg = jnp.tanh(gate_block(2))
            c_new = gf * c_ref[...] + gi * gg
            go = jax.nn.sigmoid(gate_block(3))
            h_new = go * jnp.tanh(c_new)
            h_ref[...] = h_new
            c_ref[...] = c_new
            out_ref[pl.ds(off, B), :] = jnp.transpose(h_new)
            return carry

        lax.fori_loop(0, T, lstm_step, 0)


def _fused_tc(soff, seq, r2d, Wr, br, W_ih, bias, W_hh):
    return pl.pallas_call(
        _fused_body,
        grid=(RELA + 2,),
        in_specs=[
            pl.BlockSpec(memory_space=pltpu.SMEM),
            pl.BlockSpec((NPAD, EMB), lambda i: (0, 0)),
            pl.BlockSpec((NPAD, 1), lambda i: (0, 0)),
            pl.BlockSpec((1, EMB, EMB), lambda i: (jnp.minimum(i, RELA - 1), 0, 0)),
            pl.BlockSpec((1, 1, EMB), lambda i: (jnp.minimum(i, RELA - 1), 0, 0)),
            pl.BlockSpec((4 * EMB, EMB), lambda i: (0, 0)),
            pl.BlockSpec((1, 4 * EMB), lambda i: (0, 0)),
            pl.BlockSpec((4 * EMB, EMB), lambda i: (0, 0)),
        ],
        out_specs=pl.BlockSpec((NPAD, EMB), lambda i: (0, 0)),
        out_shape=jax.ShapeDtypeStruct((NPAD, EMB), jnp.float32),
        scratch_shapes=[
            pltpu.VMEM((_GXROWS, 4 * EMB), jnp.bfloat16),
            pltpu.VMEM((EMB, B), jnp.float32),
            pltpu.VMEM((EMB, B), jnp.float32),
        ],
        compiler_params=pltpu.CompilerParams(
            dimension_semantics=("arbitrary",),
        ),
    )(soff, seq, r2d, Wr, br.reshape(RELA, 1, EMB), W_ih, bias, W_hh)


def kernel(embed, stc_v, r, batch_sizes, Wr, br, W_ih, W_hh, b_ih, b_hh):
    s2p = jnp.asarray(_STAG2PACK)
    seq, r_stag = _sc_gather(embed, stc_v, r, s2p)
    bias = (b_ih + b_hh)[None, :]
    soff = jnp.asarray(_SOFF.astype(np.int32))
    out_stag = _fused_tc(soff, seq, r_stag[:, None], Wr, br, W_ih, bias, W_hh)
    return jnp.take(out_stag, jnp.asarray(_PACK2STAG), axis=0)

# --- scband reference (transcript-rebuilt; emitter-appended) ---
"""Pipeline reference for scband-evolution-4664334483942 (READ-ONLY COPY).

The authoritative reference and input builder live on the scoring server;
editing this copy changes nothing except your own understanding.
"""

import jax, jax.numpy as jnp
import numpy as np

EMB_DIM = 512
RELA_NUM = 8
VOCAB = 100000
B = 64
T = 64


def _packing():
    lengths = np.array([T - (b // 2) for b in range(B)], dtype=np.int64)
    bs = np.array([(lengths > t).sum() for t in range(T)], dtype=np.int32)
    flat_idx = np.concatenate([t * B + np.arange(bs[t]) for t in range(T)]).astype(np.int32)
    mask = np.zeros((T, B), dtype=np.float32)
    for t in range(T):
        mask[t, : bs[t]] = 1.0
    return bs, flat_idx, mask


def setup_inputs(seed: int = 0):
    key = jax.random.key(seed)
    ks = jax.random.split(key, 9)
    bs, _, _ = _packing()
    N = int(bs.sum())
    s = 1.0 / np.sqrt(EMB_DIM)
    return {
        "embed": jax.random.normal(ks[0], (VOCAB, EMB_DIM), jnp.float32),
        "stc_v": jax.random.randint(ks[1], (N,), 0, VOCAB, dtype=jnp.int32),
        "r": jax.random.randint(ks[2], (N,), 0, RELA_NUM, dtype=jnp.int32),
        "batch_sizes": jnp.asarray(bs),
        "Wr": jax.random.uniform(ks[3], (RELA_NUM, EMB_DIM, EMB_DIM), jnp.float32, -s, s),
        "br": jax.random.uniform(ks[4], (RELA_NUM, EMB_DIM), jnp.float32, -s, s),
        "W_ih": jax.random.uniform(ks[5], (4 * EMB_DIM, EMB_DIM), jnp.float32, -s, s),
        "W_hh": jax.random.uniform(ks[6], (4 * EMB_DIM, EMB_DIM), jnp.float32, -s, s),
        "b_ih": jax.random.uniform(ks[7], (4 * EMB_DIM,), jnp.float32, -s, s),
        "b_hh": jax.random.uniform(ks[8], (4 * EMB_DIM,), jnp.float32, -s, s),
    }


def _lstm_packed(seq, W_ih, W_hh, b_ih, b_hh, flat_idx, mask):
    Tn, Bn = mask.shape
    fi = jnp.asarray(flat_idx)
    padded = jnp.zeros((Tn * Bn, EMB_DIM), seq.dtype).at[fi].set(seq)
    padded = padded.reshape(Tn, Bn, EMB_DIM)

    def step(carry, inp):
        h, c = carry
        x_t, m = inp
        gates = x_t @ W_ih.T + b_ih + h @ W_hh.T + b_hh
        i, f, g, o = jnp.split(gates, 4, axis=-1)
        i = jax.nn.sigmoid(i)
        f = jax.nn.sigmoid(f)
        g = jnp.tanh(g)
        o = jax.nn.sigmoid(o)
        c_new = f * c + i * g
        h_new = o * jnp.tanh(c_new)
        m = m[:, None]
        h = m * h_new + (1.0 - m) * h
        c = m * c_new + (1.0 - m) * c
        return (h, c), h

    h0 = jnp.zeros((Bn, EMB_DIM), seq.dtype)
    c0 = jnp.zeros((Bn, EMB_DIM), seq.dtype)
    _, outs = jax.lax.scan(step, (h0, c0), (padded, jnp.asarray(mask)))
    return outs.reshape(Tn * Bn, EMB_DIM)[fi]


def reference(embed, stc_v, r, batch_sizes, Wr, br, W_ih, W_hh, b_ih, b_hh):
    _, flat_idx, mask = _packing()
    seq = jnp.take(embed, stc_v, axis=0)
    for r_ in range(RELA_NUM):
        out_r = seq @ Wr[r_].T + br[r_]
        seq = jnp.where((r == r_)[:, None], out_r, seq)
    return _lstm_packed(seq, W_ih, W_hh, b_ih, b_hh, flat_idx, mask)

if __name__ == "__main__":
    import jax
    _d = setup_inputs()
    print(jax.jit(kernel)(*tuple(_d.values())))

</pallas_src>

<mosaic_0001>
#map = affine_map<(d0, d1) -> (0, 0)>
#map1 = affine_map<(d0, d1) -> (0)>
module attributes {stable_mosaic.version = 14 : i64} {
  func.func @gather_kernel(%arg0: i32, %arg1: i32, %arg2: memref<100000x512xf32, #tpu.memory_space<hbm>>, %arg3: memref<3104xi32, #tpu.memory_space<hbm>>, %arg4: memref<3104xi32, #tpu.memory_space<hbm>>, %arg5: memref<3328xi32, #tpu.memory_space<hbm>>, %arg6: memref<3328x512xf32, #tpu.memory_space<hbm>>, %arg7: memref<3328xi32, #tpu.memory_space<hbm>>, %arg8: memref<104xi32, #tpu.memory_space<vmem>>, %arg9: memref<104xi32, #tpu.memory_space<vmem>>, %arg10: memref<104xi32, #tpu.memory_space<vmem>>, %arg11: memref<104x512xf32, #tpu.memory_space<vmem>>, %arg12: memref<!tpu.dma_semaphore, #tpu.memory_space<semaphore_mem>>, %arg13: memref<!tpu.dma_semaphore, #tpu.memory_space<semaphore_mem>>) attributes {dimension_semantics = [#tpu.dimension_semantics<core_parallel>, #tpu.dimension_semantics<subcore_parallel>], iteration_bounds = array<i64: 2, 16>, scalar_prefetch = 0 : i64, scratch_operands = 6 : i64, tpu.core_type = #tpu.core_type<sc_vector_subcore>, window_params = [{transform_indices = #map}, {transform_indices = #map1}, {transform_indices = #map1}, {transform_indices = #map1}, {transform_indices = #map}, {transform_indices = #map1}]} {
    %mul3A = arith.constant 2 : i32
    %mul3A_0 = arith.muli %arg1, %mul3A : i32
    %add3A = arith.addi %mul3A_0, %arg0 : i32
    %mul3A_1 = arith.constant 104 : i32
    %mul3A_2 = arith.muli %add3A, %mul3A_1 : i32
    "tpu.region"() ({
      %run_scoped3A = tpu.sem_alloc : memref<!tpu.dma_semaphore, #tpu.memory_space<semaphore_mem>>
      %dma_start3A_15 = tpu.memref_slice %arg5[%mul3A_2] : memref<3328xi32, #tpu.memory_space<hbm>> -> memref<104xi32, #tpu.memory_space<hbm>>
      %dma_start3A_16 = tpu.memref_slice %arg5[%mul3A_2] : memref<3328xi32, #tpu.memory_space<hbm>> -> memref<104xi32, #tpu.memory_space<hbm>>
      tpu.enqueue_dma source(%dma_start3A_16 : memref<104xi32, #tpu.memory_space<hbm>>) target(%arg8 : memref<104xi32, #tpu.memory_space<vmem>>) target_semaphore(%run_scoped3A : memref<!tpu.dma_semaphore, #tpu.memory_space<semaphore_mem>>)
      %dma_wait3A_17 = tpu.memref_slice %arg5[%mul3A_2] : memref<3328xi32, #tpu.memory_space<hbm>> -> memref<104xi32, #tpu.memory_space<hbm>>
      %dma_wait3A_18 = tpu.memref_slice %arg5[%mul3A_2] : memref<3328xi32, #tpu.memory_space<hbm>> -> memref<104xi32, #tpu.memory_space<hbm>>
      tpu.wait_dma2 semaphore(%run_scoped3A : memref<!tpu.dma_semaphore, #tpu.memory_space<semaphore_mem>>) src(%dma_wait3A_18 : memref<104xi32, #tpu.memory_space<hbm>>) dst(%arg8 : memref<104xi32, #tpu.memory_space<vmem>>)
      tpu.yield
    }) : () -> ()
    %dma_start3A = arith.constant 0 : i32
    %dma_start3A_3 = tpu.memref_slice %arg3[%dma_start3A] : memref<3104xi32, #tpu.memory_space<hbm>> -> memref<3104xi32, #tpu.memory_space<hbm>>
    tpu.enqueue_indirect_dma source(%dma_start3A_3 : memref<3104xi32, #tpu.memory_space<hbm>>) target(%arg9 : memref<104xi32, #tpu.memory_space<vmem>>) offsets(%arg8 : memref<104xi32, #tpu.memory_space<vmem>>) semaphore(%arg12 : memref<!tpu.dma_semaphore, #tpu.memory_space<semaphore_mem>>)
    %dma_start3A_4 = arith.constant 0 : i32
    %dma_start3A_5 = tpu.memref_slice %arg4[%dma_start3A_4] : memref<3104xi32, #tpu.memory_space<hbm>> -> memref<3104xi32, #tpu.memory_space<hbm>>
    tpu.enqueue_indirect_dma source(%dma_start3A_5 : memref<3104xi32, #tpu.memory_space<hbm>>) target(%arg10 : memref<104xi32, #tpu.memory_space<vmem>>) offsets(%arg8 : memref<104xi32, #tpu.memory_space<vmem>>) semaphore(%arg13 : memref<!tpu.dma_semaphore, #tpu.memory_space<semaphore_mem>>)
    %dma_wait3A = arith.constant 0 : i32
    %dma_wait3A_6 = tpu.memref_slice %arg3[%dma_wait3A] : memref<3104xi32, #tpu.memory_space<hbm>> -> memref<3104xi32, #tpu.memory_space<hbm>>
    tpu.wait_indirect_dma semaphore(%arg12 : memref<!tpu.dma_semaphore, #tpu.memory_space<semaphore_mem>>) src(%dma_wait3A_6 : memref<3104xi32, #tpu.memory_space<hbm>>) dst(%arg9 : memref<104xi32, #tpu.memory_space<vmem>>)
    %dma_start3A_7 = arith.constant 0 : i32
    %dma_start3A_8 = arith.constant 0 : i32
    %dma_start3A_9 = tpu.memref_slice %arg2[%dma_start3A_7, %dma_start3A_8] : memref<100000x512xf32, #tpu.memory_space<hbm>> -> memref<100000x512xf32, #tpu.memory_space<hbm>>
    tpu.enqueue_indirect_dma source(%dma_start3A_9 : memref<100000x512xf32, #tpu.memory_space<hbm>>) target(%arg11 : memref<104x512xf32, #tpu.memory_space<vmem>>) offsets(%arg9 : memref<104xi32, #tpu.memory_space<vmem>>) semaphore(%arg12 : memref<!tpu.dma_semaphore, #tpu.memory_space<semaphore_mem>>)
    %dma_wait3A_10 = arith.constant 0 : i32
    %dma_wait3A_11 = arith.constant 0 : i32
    %dma_wait3A_12 = tpu.memref_slice %arg2[%dma_wait3A_10, %dma_wait3A_11] : memref<100000x512xf32, #tpu.memory_space<hbm>> -> memref<100000x512xf32, #tpu.memory_space<hbm>>
    tpu.wait_indirect_dma semaphore(%arg12 : memref<!tpu.dma_semaphore, #tpu.memory_space<semaphore_mem>>) src(%dma_wait3A_12 : memref<100000x512xf32, #tpu.memory_space<hbm>>) dst(%arg11 : memref<104x512xf32, #tpu.memory_space<vmem>>)
    %dma_wait3A_13 = arith.constant 0 : i32
    %dma_wait3A_14 = tpu.memref_slice %arg4[%dma_wait3A_13] : memref<3104xi32, #tpu.memory_space<hbm>> -> memref<3104xi32, #tpu.memory_space<hbm>>
    tpu.wait_indirect_dma semaphore(%arg13 : memref<!tpu.dma_semaphore, #tpu.memory_space<semaphore_mem>>) src(%dma_wait3A_14 : memref<3104xi32, #tpu.memory_space<hbm>>) dst(%arg10 : memref<104xi32, #tpu.memory_space<vmem>>)
    "tpu.region"() ({
      %run_scoped3A = tpu.sem_alloc : memref<!tpu.dma_semaphore, #tpu.memory_space<semaphore_mem>>
      %dma_start3A_15 = arith.constant 0 : i32
      %dma_start3A_16 = tpu.memref_slice %arg6[%mul3A_2, %dma_start3A_15] : memref<3328x512xf32, #tpu.memory_space<hbm>> -> memref<104x512xf32, #tpu.memory_space<hbm>>
      %dma_start3A_17 = arith.constant 0 : i32
      %dma_start3A_18 = tpu.memref_slice %arg6[%mul3A_2, %dma_start3A_17] : memref<3328x512xf32, #tpu.memory_space<hbm>> -> memref<104x512xf32, #tpu.memory_space<hbm>>
      tpu.enqueue_dma source(%arg11 : memref<104x512xf32, #tpu.memory_space<vmem>>) target(%dma_start3A_18 : memref<104x512xf32, #tpu.memory_space<hbm>>) target_semaphore(%run_scoped3A : memref<!tpu.dma_semaphore, #tpu.memory_space<semaphore_mem>>)
      %dma_wait3A_19 = arith.constant 0 : i32
      %dma_wait3A_20 = tpu.memref_slice %arg6[%mul3A_2, %dma_wait3A_19] : memref<3328x512xf32, #tpu.memory_space<hbm>> -> memref<104x512xf32, #tpu.memory_space<hbm>>
      %dma_wait3A_21 = arith.constant 0 : i32
      %dma_wait3A_22 = tpu.memref_slice %arg6[%mul3A_2, %dma_wait3A_21] : memref<3328x512xf32, #tpu.memory_space<hbm>> -> memref<104x512xf32, #tpu.memory_space<hbm>>
      tpu.wait_dma2 semaphore(%run_scoped3A : memref<!tpu.dma_semaphore, #tpu.memory_space<semaphore_mem>>) src(%arg11 : memref<104x512xf32, #tpu.memory_space<vmem>>) dst(%dma_wait3A_22 : memref<104x512xf32, #tpu.memory_space<hbm>>)
      tpu.yield
    }) : () -> ()
    "tpu.region"() ({
      %run_scoped3A = tpu.sem_alloc : memref<!tpu.dma_semaphore, #tpu.memory_space<semaphore_mem>>
      %dma_start3A_15 = tpu.memref_slice %arg7[%mul3A_2] : memref<3328xi32, #tpu.memory_space<hbm>> -> memref<104xi32, #tpu.memory_space<hbm>>
      %dma_start3A_16 = tpu.memref_slice %arg7[%mul3A_2] : memref<3328xi32, #tpu.memory_space<hbm>> -> memref<104xi32, #tpu.memory_space<hbm>>
      tpu.enqueue_dma source(%arg10 : memref<104xi32, #tpu.memory_space<vmem>>) target(%dma_start3A_16 : memref<104xi32, #tpu.memory_space<hbm>>) target_semaphore(%run_scoped3A : memref<!tpu.dma_semaphore, #tpu.memory_space<semaphore_mem>>)
      %dma_wait3A_17 = tpu.memref_slice %arg7[%mul3A_2] : memref<3328xi32, #tpu.memory_space<hbm>> -> memref<104xi32, #tpu.memory_space<hbm>>
      %dma_wait3A_18 = tpu.memref_slice %arg7[%mul3A_2] : memref<3328xi32, #tpu.memory_space<hbm>> -> memref<104xi32, #tpu.memory_space<hbm>>
      tpu.wait_dma2 semaphore(%run_scoped3A : memref<!tpu.dma_semaphore, #tpu.memory_space<semaphore_mem>>) src(%arg10 : memref<104xi32, #tpu.memory_space<vmem>>) dst(%dma_wait3A_18 : memref<104xi32, #tpu.memory_space<hbm>>)
      tpu.yield
    }) : () -> ()
    return
  }
}

module attributes {stable_mosaic.version = 14 : i64} {
  func.func @_fused_body(%arg0: i32, %arg1: memref<64xi32, #tpu.memory_space<smem>>, %arg2: memref<3328x512xf32, #tpu.memory_space<vmem>>, %arg3: memref<3328x1xi32, #tpu.memory_space<vmem>>, %arg4: memref<1x512x512xf32, #tpu.memory_space<vmem>>, %arg5: memref<1x1x512xf32, #tpu.memory_space<vmem>>, %arg6: memref<2048x512xf32, #tpu.memory_space<vmem>>, %arg7: memref<1x2048xf32, #tpu.memory_space<vmem>>, %arg8: memref<2048x512xf32, #tpu.memory_space<vmem>>, %arg9: memref<3328x512xf32, #tpu.memory_space<vmem>>, %arg10: memref<3256x2048xbf16, #tpu.memory_space<vmem>>, %arg11: memref<512x64xf32, #tpu.memory_space<vmem>>, %arg12: memref<512x64xf32, #tpu.memory_space<vmem>>) attributes {dimension_semantics = [#tpu.dimension_semantics<arbitrary>], iteration_bounds = array<i64: 10>, scalar_prefetch = 0 : i64, scratch_operands = 3 : i64, tpu.core_type = #tpu.core_type<tc>, window_params = [{transform_indices = @transform_0, window_bounds = array<i64: 64>}, {pipeline_mode = #tpu.pipeline_mode<synchronous>, transform_indices = @transform_1, window_bounds = array<i64: 3328, 512>}, {pipeline_mode = #tpu.pipeline_mode<synchronous>, transform_indices = @transform_2, window_bounds = array<i64: 3328, 1>}, {transform_indices = @transform_3, window_bounds = array<i64: 1, 512, 512>}, {transform_indices = @transform_4, window_bounds = array<i64: 1, 1, 512>}, {pipeline_mode = #tpu.pipeline_mode<synchronous>, transform_indices = @transform_5, window_bounds = array<i64: 2048, 512>}, {pipeline_mode = #tpu.pipeline_mode<synchronous>, transform_indices = @transform_6, window_bounds = array<i64: 1, 2048>}, {pipeline_mode = #tpu.pipeline_mode<synchronous>, transform_indices = @transform_7, window_bounds = array<i64: 2048, 512>}, {pipeline_mode = #tpu.pipeline_mode<synchronous>, transform_indices = @transform_8, window_bounds = array<i64: 3328, 512>}]} {
    %lt3A = arith.constant 8 : i32
    %lt3A_0 = arith.cmpi slt, %arg0, %lt3A : i32
    %convert_element_type3A = arith.extui %lt3A_0 : i1 to i32
    %cond3A = arith.constant 0 : i32
    %cond3A_1 = arith.cmpi ne, %convert_element_type3A, %cond3A : i32
    scf.if %cond3A_1 {
      %get3A = arith.constant 0 : index
      %get3A_11 = arith.constant 0 : index
      %get3A_12 = vector.load %arg2[%get3A, %get3A_11] : memref<3328x512xf32, #tpu.memory_space<vmem>>, vector<3256x512xf32>
      %get3A_13 = arith.constant 0 : index
      %get3A_14 = arith.constant 0 : index
      %get3A_15 = arith.constant 0 : index
      %get3A_16 = vector.load %arg4[%get3A_13, %get3A_14, %get3A_15] : memref<1x512x512xf32, #tpu.memory_space<vmem>>, vector<1x512x512xf32>
      %get3A_17 = vector.shape_cast %get3A_16 : vector<1x512x512xf32> to vector<512x512xf32>
      %dot_general3A = arith.constant dense<0.000000e+00> : vector<3256x512xf32>
      %dot_general3A_18 = tpu.matmul %get3A_12, %get3A_17, %dot_general3A {dimension_numbers = #tpu.dot_dimension_numbers<[1], [1], [0], [0], [0, 0, 1, 0], [], []>, transpose_lhs_hint = false} : vector<3256x512xf32>, vector<512x512xf32>, vector<3256x512xf32> -> vector<3256x512xf32>
      %get3A_19 = arith.constant 0 : index
      %get3A_20 = arith.constant 0 : index
      %get3A_21 = arith.constant 0 : index
      %get3A_22 = vector.load %arg5[%get3A_19, %get3A_20, %get3A_21] : memref<1x1x512xf32, #tpu.memory_space<vmem>>, vector<1x1x512xf32>
      %get3A_23 = vector.shape_cast %get3A_22 : vector<1x1x512xf32> to vector<1x512xf32>
      %add3A = vector.broadcast %get3A_23 : vector<1x512xf32> to vector<3256x512xf32>
      %add3A_24 = arith.addf %dot_general3A_18, %add3A : vector<3256x512xf32>
      %get3A_25 = arith.constant 0 : index
      %get3A_26 = arith.constant 0 : index
      %get3A_27 = vector.load %arg3[%get3A_25, %get3A_26] : memref<3328x1xi32, #tpu.memory_space<vmem>>, vector<3256x1xi32>
      %eq3A_28 = vector.broadcast %arg0 : i32 to vector<3256x1xi32>
      %eq3A_29 = arith.cmpi eq, %get3A_27, %eq3A_28 : vector<3256x1xi32>
      %eq3A_30 = arith.constant 0 : i32
      %eq3A_31 = arith.cmpi eq, %arg0, %eq3A_30 : i32
      %convert_element_type3A_32 = arith.extui %eq3A_31 : i1 to i32
      %cond3A_33 = arith.constant 0 : i32
      %cond3A_34 = arith.cmpi ne, %convert_element_type3A_32, %cond3A_33 : i32
      scf.if %cond3A_34 {
        %get3A_39 = arith.constant 0 : index
        %get3A_40 = arith.constant 0 : index
        %get3A_41 = vector.load %arg2[%get3A_39, %get3A_40] : memref<3328x512xf32, #tpu.memory_space<vmem>>, vector<3256x512xf32>
        %broadcast_in_dim3A = vector.shape_cast %eq3A_29 : vector<3256x1xi1> to vector<3256x1xi1>
        %broadcast_in_dim3A_42 = vector.broadcast %broadcast_in_dim3A : vector<3256x1xi1> to vector<3256x512xi1>
        %select_n3A = arith.select %broadcast_in_dim3A_42, %add3A_24, %get3A_41 : vector<3256x512xi1>, vector<3256x512xf32>
        %swap3A = arith.constant 0 : index
        %swap3A_43 = arith.constant 0 : index
        %swap3A_44 = vector.load %arg9[%swap3A, %swap3A_43] : memref<3328x512xf32, #tpu.memory_space<vmem>>, vector<3256x512xf32>
        tpu.vector_store %arg9[%swap3A, %swap3A_43], %select_n3A {strides = array<i32>} : memref<3328x512xf32, #tpu.memory_space<vmem>>, vector<3256x512xf32>,
      } else {
      }
      %gt3A = arith.constant 0 : i32
      %gt3A_35 = arith.cmpi sgt, %arg0, %gt3A : i32
      %convert_element_type3A_36 = arith.extui %gt3A_35 : i1 to i32
      %cond3A_37 = arith.constant 0 : i32
      %cond3A_38 = arith.cmpi ne, %convert_element_type3A_36, %cond3A_37 : i32
      scf.if %cond3A_38 {
        %get3A_39 = arith.constant 0 : index
        %get3A_40 = arith.constant 0 : index
        %get3A_41 = vector.load %arg9[%get3A_39, %get3A_40] : memref<3328x512xf32, #tpu.memory_space<vmem>>, vector<3256x512xf32>
        %broadcast_in_dim3A = vector.shape_cast %eq3A_29 : vector<3256x1xi1> to vector<3256x1xi1>
        %broadcast_in_dim3A_42 = vector.broadcast %broadcast_in_dim3A : vector<3256x1xi1> to vector<3256x512xi1>
        %select_n3A = arith.select %broadcast_in_dim3A_42, %add3A_24, %get3A_41 : vector<3256x512xi1>, vector<3256x512xf32>
        %swap3A = arith.constant 0 : index
        %swap3A_43 = arith.constant 0 : index
        %swap3A_44 = vector.load %arg9[%swap3A, %swap3A_43] : memref<3328x512xf32, #tpu.memory_space<vmem>>, vector<3256x512xf32>
        tpu.vector_store %arg9[%swap3A, %swap3A_43], %select_n3A {strides = array<i32>} : memref<3328x512xf32, #tpu.memory_space<vmem>>, vector<3256x512xf32>,
      } else {
      }
    } else {
    }
    %eq3A = arith.constant 8 : i32
    %eq3A_2 = arith.cmpi eq, %arg0, %eq3A : i32
    %convert_element_type3A_3 = arith.extui %eq3A_2 : i1 to i32
    %cond3A_4 = arith.constant 0 : i32
    %cond3A_5 = arith.cmpi ne, %convert_element_type3A_3, %cond3A_4 : i32
    scf.if %cond3A_5 {
      %get3A = arith.constant 0 : index
      %get3A_11 = arith.constant 0 : index
      %get3A_12 = vector.load %arg9[%get3A, %get3A_11] : memref<3328x512xf32, #tpu.memory_space<vmem>>, vector<3256x512xf32>
      %get3A_13 = arith.constant 0 : index
      %get3A_14 = arith.constant 0 : index
      %get3A_15 = vector.load %arg6[%get3A_13, %get3A_14] : memref<2048x512xf32, #tpu.memory_space<vmem>>, vector<2048x512xf32>
      %dot_general3A = arith.constant dense<0.000000e+00> : vector<3256x2048xf32>
      %dot_general3A_16 = tpu.matmul %get3A_12, %get3A_15, %dot_general3A {dimension_numbers = #tpu.dot_dimension_numbers<[1], [1], [0], [0], [0, 0, 1, 0], [], []>, transpose_lhs_hint = false} : vector<3256x512xf32>, vector<2048x512xf32>, vector<3256x2048xf32> -> vector<3256x2048xf32>
      %get3A_17 = arith.constant 0 : index
      %get3A_18 = arith.constant 0 : index
      %get3A_19 = vector.load %arg7[%get3A_17, %get3A_18] : memref<1x2048xf32, #tpu.memory_space<vmem>>, vector<1x2048xf32>
      %add3A = vector.broadcast %get3A_19 : vector<1x2048xf32> to vector<3256x2048xf32>
      %add3A_20 = arith.addf %dot_general3A_16, %add3A : vector<3256x2048xf32>
      %convert_element_type3A_21 = arith.truncf %add3A_20 : vector<3256x2048xf32> to vector<3256x2048xbf16>
      %swap3A = arith.constant 0 : index
      %swap3A_22 = arith.constant 0 : index
      %swap3A_23 = vector.load %arg10[%swap3A, %swap3A_22] : memref<3256x2048xbf16, #tpu.memory_space<vmem>>, vector<3256x2048xbf16>
      tpu.vector_store %arg10[%swap3A, %swap3A_22], %convert_element_type3A_21 {strides = array<i32>} : memref<3256x2048xbf16, #tpu.memory_space<vmem>>, vector<3256x2048xbf16>,
      %broadcast_in_dim3A = arith.constant 0.000000e+00 : f32
      %broadcast_in_dim3A_24 = vector.broadcast %broadcast_in_dim3A : f32 to vector<512x64xf32>
      %swap3A_25 = arith.constant 0 : index
      %swap3A_26 = arith.constant 0 : index
      %swap3A_27 = vector.load %arg11[%swap3A_25, %swap3A_26] : memref<512x64xf32, #tpu.memory_space<vmem>>, vector<512x64xf32>
      tpu.vector_store %arg11[%swap3A_25, %swap3A_26], %broadcast_in_dim3A_24 {strides = array<i32>} : memref<512x64xf32, #tpu.memory_space<vmem>>, vector<512x64xf32>,
      %broadcast_in_dim3A_28 = arith.constant 0.000000e+00 : f32
      %broadcast_in_dim3A_29 = vector.broadcast %broadcast_in_dim3A_28 : f32 to vector<512x64xf32>
      %swap3A_30 = arith.constant 0 : index
      %swap3A_31 = arith.constant 0 : index
      %swap3A_32 = vector.load %arg12[%swap3A_30, %swap3A_31] : memref<512x64xf32, #tpu.memory_space<vmem>>, vector<512x64xf32>
      tpu.vector_store %arg12[%swap3A_30, %swap3A_31], %broadcast_in_dim3A_29 {strides = array<i32>} : memref<512x64xf32, #tpu.memory_space<vmem>>, vector<512x64xf32>,
    } else {
    }
    %eq3A_6 = arith.constant 9 : i32
    %eq3A_7 = arith.cmpi eq, %arg0, %eq3A_6 : i32
    %convert_element_type3A_8 = arith.extui %eq3A_7 : i1 to i32
    %cond3A_9 = arith.constant 0 : i32
    %cond3A_10 = arith.cmpi ne, %convert_element_type3A_8, %cond3A_9 : i32
    scf.if %cond3A_10 {
      %scan3A = arith.constant 0 : i32
      %scan3A_11 = arith.constant 64 : i32
      %scan3A_12 = arith.addi %scan3A, %scan3A_11 : i32
      %scan3A_13 = arith.constant 1 : i32
      scf.for %scan3A_15 = %scan3A to %scan3A_12 step %scan3A_13  : i32 {
        %get3A = arith.index_cast %scan3A_15 : i32 to index
        %get3A_16 = memref.load %arg1[%get3A] : memref<64xi32, #tpu.memory_space<smem>>
        %multiple_of3A = tpu.assume_multiple %get3A_16, 8 : i32
        %get3A_17 = arith.index_cast %multiple_of3A : i32 to index
        %get3A_18 = arith.constant 0 : index
        %get3A_19 = vector.load %arg10[%get3A_17, %get3A_18] : memref<3256x2048xbf16, #tpu.memory_space<vmem>>, vector<64x2048xbf16>
        %get3A_20 = arith.constant 0 : index
        %get3A_21 = arith.constant 0 : index
        %get3A_22 = vector.load %arg11[%get3A_20, %get3A_21] : memref<512x64xf32, #tpu.memory_space<vmem>>, vector<512x64xf32>
        %slice3A = vector.extract_strided_slice %get3A_19 {offsets = [0, 0], sizes = [64, 512], strides = [1, 1]} : vector<64x2048xbf16> to vector<64x512xbf16>
        %transpose3A = tpu.transpose %slice3A, [1, 0] : vector<64x512xbf16> -> vector<512x64xbf16>
        %convert_element_type3A_23 = arith.extf %transpose3A : vector<512x64xbf16> to vector<512x64xf32>
        %get3A_24 = arith.constant 0 : index
        %get3A_25 = arith.constant 0 : index
        %get3A_26 = vector.load %arg8[%get3A_24, %get3A_25] : memref<2048x512xf32, #tpu.memory_space<vmem>>, vector<512x512xf32>
        %dot_general3A = arith.constant dense<0.000000e+00> : vector<512x64xf32>
        %dot_general3A_27 = tpu.matmul %get3A_26, %get3A_22, %dot_general3A {dimension_numbers = #tpu.dot_dimension_numbers<[1], [0], [0], [1], [0, 0, 1, 1], [], []>, transpose_lhs_hint = false} : vector<512x512xf32>, vector<512x64xf32>, vector<512x64xf32> -> vector<512x64xf32>
        %add3A = arith.addf %convert_element_type3A_23, %dot_general3A_27 : vector<512x64xf32>
        %logistic3A = arith.negf %add3A : vector<512x64xf32>
        %logistic3A_28 = math.exp %logistic3A : vector<512x64xf32>
        %logistic3A_29 = arith.constant 1.000000e+00 : f32
        %logistic3A_30 = vector.broadcast %logistic3A_29 : f32 to vector<512x64xf32>
        %logistic3A_31 = arith.addf %logistic3A_30, %logistic3A_28 : vector<512x64xf32>
        %logistic3A_32 = arith.divf %logistic3A_30, %logistic3A_31 : vector<512x64xf32>
        %slice3A_33 = vector.extract_strided_slice %get3A_19 {offsets = [0, 512], sizes = [64, 512], strides = [1, 1]} : vector<64x2048xbf16> to vector<64x512xbf16>
        %transpose3A_34 = tpu.transpose %slice3A_33, [1, 0] : vector<64x512xbf16> -> vector<512x64xbf16>
        %convert_element_type3A_35 = arith.extf %transpose3A_34 : vector<512x64xbf16> to vector<512x64xf32>
        %get3A_36 = arith.constant 512 : index
        %get3A_37 = arith.constant 0 : index
        %get3A_38 = vector.load %arg8[%get3A_36, %get3A_37] : memref<2048x512xf32, #tpu.memory_space<vmem>>, vector<512x512xf32>
        %dot_general3A_39 = arith.constant dense<0.000000e+00> : vector<512x64xf32>
        %dot_general3A_40 = tpu.matmul %get3A_38, %get3A_22, %dot_general3A_39 {dimension_numbers = #tpu.dot_dimension_numbers<[1], [0], [0], [1], [0, 0, 1, 1], [], []>, transpose_lhs_hint = false} : vector<512x512xf32>, vector<512x64xf32>, vector<512x64xf32> -> vector<512x64xf32>
        %add3A_41 = arith.addf %convert_element_type3A_35, %dot_general3A_40 : vector<512x64xf32>
        %logistic3A_42 = arith.negf %add3A_41 : vector<512x64xf32>
        %logistic3A_43 = math.exp %logistic3A_42 : vector<512x64xf32>
        %logistic3A_44 = arith.constant 1.000000e+00 : f32
        %logistic3A_45 = vector.broadcast %logistic3A_44 : f32 to vector<512x64xf32>
        %logistic3A_46 = arith.addf %logistic3A_45, %logistic3A_43 : vector<512x64xf32>
        %logistic3A_47 = arith.divf %logistic3A_45, %logistic3A_46 : vector<512x64xf32>
        %slice3A_48 = vector.extract_strided_slice %get3A_19 {offsets = [0, 1024], sizes = [64, 512], strides = [1, 1]} : vector<64x2048xbf16> to vector<64x512xbf16>
        %transpose3A_49 = tpu.transpose %slice3A_48, [1, 0] : vector<64x512xbf16> -> vector<512x64xbf16>
        %convert_element_type3A_50 = arith.extf %transpose3A_49 : vector<512x64xbf16> to vector<512x64xf32>
        %get3A_51 = arith.constant 1024 : index
        %get3A_52 = arith.constant 0 : index
        %get3A_53 = vector.load %arg8[%get3A_51, %get3A_52] : memref<2048x512xf32, #tpu.memory_space<vmem>>, vector<512x512xf32>
        %dot_general3A_54 = arith.constant dense<0.000000e+00> : vector<512x64xf32>
        %dot_general3A_55 = tpu.matmul %get3A_53, %get3A_22, %dot_general3A_54 {dimension_numbers = #tpu.dot_dimension_numbers<[1], [0], [0], [1], [0, 0, 1, 1], [], []>, transpose_lhs_hint = false} : vector<512x512xf32>, vector<512x64xf32>, vector<512x64xf32> -> vector<512x64xf32>
        %add3A_56 = arith.addf %convert_element_type3A_50, %dot_general3A_55 : vector<512x64xf32>
        %tanh3A = math.tanh %add3A_56 : vector<512x64xf32>
        %get3A_57 = arith.constant 0 : index
        %get3A_58 = arith.constant 0 : index
        %get3A_59 = vector.load %arg12[%get3A_57, %get3A_58] : memref<512x64xf32, #tpu.memory_space<vmem>>, vector<512x64xf32>
        %mul3A = arith.mulf %logistic3A_47, %get3A_59 : vector<512x64xf32>
        %mul3A_60 = arith.mulf %logistic3A_32, %tanh3A : vector<512x64xf32>
        %add3A_61 = arith.addf %mul3A, %mul3A_60 : vector<512x64xf32>
        %slice3A_62 = vector.extract_strided_slice %get3A_19 {offsets = [0, 1536], sizes = [64, 512], strides = [1, 1]} : vector<64x2048xbf16> to vector<64x512xbf16>
        %transpose3A_63 = tpu.transpose %slice3A_62, [1, 0] : vector<64x512xbf16> -> vector<512x64xbf16>
        %convert_element_type3A_64 = arith.extf %transpose3A_63 : vector<512x64xbf16> to vector<512x64xf32>
        %get3A_65 = arith.constant 1536 : index
        %get3A_66 = arith.constant 0 : index
        %get3A_67 = vector.load %arg8[%get3A_65, %get3A_66] : memref<2048x512xf32, #tpu.memory_space<vmem>>, vector<512x512xf32>
        %dot_general3A_68 = arith.constant dense<0.000000e+00> : vector<512x64xf32>
        %dot_general3A_69 = tpu.matmul %get3A_67, %get3A_22, %dot_general3A_68 {dimension_numbers = #tpu.dot_dimension_numbers<[1], [0], [0], [1], [0, 0, 1, 1], [], []>, transpose_lhs_hint = false} : vector<512x512xf32>, vector<512x64xf32>, vector<512x64xf32> -> vector<512x64xf32>
        %add3A_70 = arith.addf %convert_element_type3A_64, %dot_general3A_69 : vector<512x64xf32>
        %logistic3A_71 = arith.negf %add3A_70 : vector<512x64xf32>
        %logistic3A_72 = math.exp %logistic3A_71 : vector<512x64xf32>
        %logistic3A_73 = arith.constant 1.000000e+00 : f32
        %logistic3A_74 = vector.broadcast %logistic3A_73 : f32 to vector<512x64xf32>
        %logistic3A_75 = arith.addf %logistic3A_74, %logistic3A_72 : vector<512x64xf32>
        %logistic3A_76 = arith.divf %logistic3A_74, %logistic3A_75 : vector<512x64xf32>
        %tanh3A_77 = math.tanh %add3A_61 : vector<512x64xf32>
        %mul3A_78 = arith.mulf %logistic3A_76, %tanh3A_77 : vector<512x64xf32>
        %swap3A = arith.constant 0 : index
        %swap3A_79 = arith.constant 0 : index
        %swap3A_80 = vector.load %arg11[%swap3A, %swap3A_79] : memref<512x64xf32, #tpu.memory_space<vmem>>, vector<512x64xf32>
        tpu.vector_store %arg11[%swap3A, %swap3A_79], %mul3A_78 {strides = array<i32>} : memref<512x64xf32, #tpu.memory_space<vmem>>, vector<512x64xf32>,
        %swap3A_81 = arith.constant 0 : index
        %swap3A_82 = arith.constant 0 : index
        %swap3A_83 = vector.load %arg12[%swap3A_81, %swap3A_82] : memref<512x64xf32, #tpu.memory_space<vmem>>, vector<512x64xf32>
        tpu.vector_store %arg12[%swap3A_81, %swap3A_82], %add3A_61 {strides = array<i32>} : memref<512x64xf32, #tpu.memory_space<vmem>>, vector<512x64xf32>,
        %transpose3A_84 = tpu.transpose %mul3A_78, [1, 0] : vector<512x64xf32> -> vector<64x512xf32>
        %swap3A_85 = arith.index_cast %multiple_of3A : i32 to index
        %swap3A_86 = arith.constant 0 : index
        %swap3A_87 = vector.load %arg9[%swap3A_85, %swap3A_86] : memref<3328x512xf32, #tpu.memory_space<vmem>>, vector<64x512xf32>
        tpu.vector_store %arg9[%swap3A_85, %swap3A_86], %transpose3A_84 {strides = array<i32>} : memref<3328x512xf32, #tpu.memory_space<vmem>>, vector<64x512xf32>,
      }
      %scan3A_14 = arith.constant 64 : i32
    } else {
    }
    return
  }
  func.func @transform_0(%arg0: i32) -> i32 {
    %c0_i32 = arith.constant 0 : i32
    %c0_i32_0 = arith.constant 0 : i32
    return %c0_i32 : i32
  }
  func.func @transform_1(%arg0: i32) -> (i32, i32) {
    %c0_i32 = arith.constant 0 : i32
    %c0_i32_0 = arith.constant 0 : i32
    %c0_i32_1 = arith.constant 0 : i32
    return %c0_i32, %c0_i32_0 : i32, i32
  }
  func.func @transform_2(%arg0: i32) -> (i32, i32) {
    %c0_i32 = arith.constant 0 : i32
    %c0_i32_0 = arith.constant 0 : i32
    %c0_i32_1 = arith.constant 0 : i32
    return %c0_i32, %c0_i32_0 : i32, i32
  }
  func.func @transform_3(%arg0: i32) -> (i32, i32, i32) {
    %min3A = arith.constant 7 : i32
    %min3A_0 = arith.minsi %arg0, %min3A : i32
    %c0_i32 = arith.constant 0 : i32
    %c0_i32_1 = arith.constant 0 : i32
    %c0_i32_2 = arith.constant 0 : i32
    return %min3A_0, %c0_i32, %c0_i32_1 : i32, i32, i32
  }
  func.func @transform_4(%arg0: i32) -> (i32, i32, i32) {
    %min3A = arith.constant 7 : i32
    %min3A_0 = arith.minsi %arg0, %min3A : i32
    %c0_i32 = arith.constant 0 : i32
    %c0_i32_1 = arith.constant 0 : i32
    %c0_i32_2 = arith.constant 0 : i32
    return %min3A_0, %c0_i32, %c0_i32_1 : i32, i32, i32
  }
  func.func @transform_5(%arg0: i32) -> (i32, i32) {
    %c0_i32 = arith.constant 0 : i32
    %c0_i32_0 = arith.constant 0 : i32
    %c0_i32_1 = arith.constant 0 : i32
    return %c0_i32, %c0_i32_0 : i32, i32
  }
  func.func @transform_6(%arg0: i32) -> (i32, i32) {
    %c0_i32 = arith.constant 0 : i32
    %c0_i32_0 = arith.constant 0 : i32
    %c0_i32_1 = arith.constant 0 : i32
    return %c0_i32, %c0_i32_0 : i32, i32
  }
  func.func @transform_7(%arg0: i32) -> (i32, i32) {
    %c0_i32 = arith.constant 0 : i32
    %c0_i32_0 = arith.constant 0 : i32
    %c0_i32_1 = arith.constant 0 : i32
    return %c0_i32, %c0_i32_0 : i32, i32
  }
  func.func @transform_8(%arg0: i32) -> (i32, i32) {
    %c0_i32 = arith.constant 0 : i32
    %c0_i32_0 = arith.constant 0 : i32
    %c0_i32_1 = arith.constant 0 : i32
    return %c0_i32, %c0_i32_0 : i32, i32
  }
}

</mosaic_0001>

<sc_bundles>
// kernel: gather_offload_async_start
scs
__scs_entry_jumppad:
0x0: {  	(pc) =	sbr.rel $0x88, $3  }
0x1: {  	(tag) =	ssettag $0x0;
	lr =	simm.s32 $0x1  }
0x2: {  	[smem:$0x3F98] =	sst lr;
	_ =	strace $0xD0000000  }
0x3: {  	_ = 	snop  }
0x4: {  	_ = 	snop  }
0x5: {  	_ = 	snop  }
0x6: {  	_ = 	snop  }
0x7: {  	_ = 	snop  }
__scs_overlays_trampoline_lowered:
0x8: {  	[smem:$0x3FA7] =	sst s0  }
0x9: {  	[smem:$0x3FA8] =	sst s1  }
0xa: {  	[smem:$0x3FA9] =	sst s2  }
0xb: {  	[smem:$0x3FAA] =	sst s3  }
0xc: {  	[smem:$0x3FAB] =	sst s4  }
0xd: {  	[smem:$0x3FAC] =	sst s5  }
0xe: {  	[smem:$0x3FAD] =	sst s6  }
0xf: {  	[smem:$0x3FAE] =	sst s7  }
0x10: {  	[smem:$0x3FAF] =	sst s8  }
0x11: {  	[smem:$0x3FB0] =	sst s9;
	s0 =	simm.s32 @!p0 $0x0  }
0x12: {  	s1 =	sld [smem:$0x3F96];
	s0 =	simm.s32 @p0 $0x1  }
0x13: {  	[smem:$0x3FB1] =	sst s0;
	s0 =	simm.s32 @!p1 $0x0  }
0x14: {  	s2 =	sld [smem:$0x3F95];
	s0 =	simm.s32 @p1 $0x1  }
0x15: {  	[smem:$0x3FB2] =	sst s0;
	s0 =	simm.s32 @!p2 $0x0  }
0x16: {  	s3 =	sld [smem:$0x3FDB];
	s0 =	simm.s32 @p2 $0x1  }
0x17: {  	s4 =	simm.s32 $0x1BF5;
	[smem:$0x3FB4] =	sst s0  }
0x18: {  	s0 =	sld [smem:$0x3F97];
	_ =	swait.ge [sflag:s4], $0x0  }
0x19: {  	s7 =	sld [smem:$0x3F98]  }
0x1a: {  	s8 =	sadd.s32 $0xFFFFE003, lr  }
0x1b: {  	s9 =	sadd.s32 $0xFFFFFEF7, lr;
	s5 =	simm.s32 $0xFFFFFFFF;
	p2 =	slt.u32 s8, $0xFFFFF086  }
0x1c: {  	p1 =	slt.u32 s9, $0xF7A;
	s5 =	simm.s32 @!p2 $0x0  }
0x1d: {  	s5 =	simm.s32 @p1 $0x1;
	p0 =	seq.s32 s7, s2  }
0x1e: {  	s7 =	smul.u32 @!p0 $0xF7A, s2;
	p2 =	seq.s32 @!p0 s5, $0x0  }
0x1f: {  	s9 =	smul.u32 $0xF7A, s1;
	s8 =	simm.s32 @!p0 $0x1BF5;
	p2 =	por !p2, p0  }
0x20: {  	[sflag:s8] =	ssyncset.s32 @!p0 $0xFFFFF086;
	s6 =	sadd.s32 @!p0 s3, s7;
	s7 =	simm.s32 @!p0 $0x108  }
0x21: {  	s3 =	sadd.s32 s3, s9;
	s6 =	sadd.s32 @!p0 $0x88, s6;
	s7 =	simm.s32 @p2 $0x1082  }
0x22: {  	[simem:s7], [sflag:s8] =	dma.local @!p0 [hbm:s6], $0xF7A  }
0x23: {  	s9 =	sor.u32 $0xD0000000, s2;
	s6 =	simm.s32 $0x108;
	_ =	swait.ge @!p0 [sflag:s8], $0x0  }
0x24: {  	s3 =	sadd.s32 $0x88, s3;
	s6 =	simm.s32 @!p1 $0x1082;
	[sflag:s4] =	ssyncset.s32 $0xFFFFF086  }
0x25: {  	[simem:s6], [sflag:s4] =	dma.local [hbm:s3], $0xF7A  }
0x26: {  	[smem:$0x3F98] =	sst s1;
	(tag) =	ssettag s2;
	_ =	strace s9  }
0x27: {  	s1 =	sld [smem:$0x3FA8]  }
0x28: {  	s2 =	sld [smem:$0x3FA9]  }
0x29: {  	s4 =	sld [smem:$0x3FAB]  }
0x2a: {  	p0 =	seq.s32 s5, $0x0;
	s5 =	sld [smem:$0x3FAC]  }
0x2b: {  	s6 =	sld [smem:$0x3FAD]  }
0x2c: {  	s7 =	sld [smem:$0x3FAE]  }
0x2d: {  	s3 =	simm.s32 $0x108;
	s8 =	sld [smem:$0x3FAF]  }
0x2e: {  	s3 =	simm.s32 @!p0 $0x1082;
	s9 =	sld [smem:$0x3FB0]  }
0x2f: {  	lr =	sadd.s32 s0, s3;
	s0 =	sld [smem:$0x3FA7]  }
0x30: {  	s3 =	sld [smem:$0x3FAA]  }
0x31: {  	[smem:$0x3FB3] =	sst s10  }
0x32: {  	s10 =	sld [smem:$0x3FB1];
	_ =	sdelay $0x3  }
0x33: {  	p0 =	seq.s32 s10, $0x1;
	s10 =	sld [smem:$0x3FB3];
	_ =	sdelay $0x3  }
0x34: {  	[smem:$0x3FB3] =	sst s10  }
0x35: {  	s10 =	sld [smem:$0x3FB2];
	_ =	sdelay $0x3  }
0x36: {  	p1 =	seq.s32 s10, $0x1;
	s10 =	sld [smem:$0x3FB3];
	_ =	sdelay $0x3  }
0x37: {  	[smem:$0x3FB3] =	sst s10  }
0x38: {  	s10 =	sld [smem:$0x3FB4]  }
0x39: {  	_ = 	snop;
	(pc) =	sbr.ind lr, $3  }
0x3a: {  	_ = 	snop  }
0x3b: {  	_ = 	snop  }
0x3c: {  	p2 =	seq.s32 s10, $0x1;
	s10 =	sld [smem:$0x3FB3]  }
0x3d: {  	_ =	shalt  }
0x3e: {  	_ =	shalt  }
0x3f: {  	_ =	shalt  }
0x40: {  	_ =	shalt  }
0x41: {  	_ =	shalt  }
0x42: {  	_ =	shalt  }
0x43: {  	_ =	shalt  }
0x44: {  	_ =	shalt  }
0x45: {  	_ =	shalt  }
0x46: {  	_ =	shalt  }
0x47: {  	_ =	shalt  }
0x48: {  	_ =	shalt  }
0x49: {  	_ =	shalt  }
0x4a: {  	_ =	shalt  }
0x4b: {  	_ =	shalt  }
0x4c: {  	_ =	shalt  }
0x4d: {  	_ =	shalt  }
0x4e: {  	_ =	shalt  }
0x4f: {  	_ =	shalt  }
0x50: {  	_ =	shalt  }
0x51: {  	_ =	shalt  }
0x52: {  	_ =	shalt  }
0x53: {  	_ =	shalt  }
0x54: {  	_ =	shalt  }
0x55: {  	_ =	shalt  }
0x56: {  	_ =	shalt  }
0x57: {  	_ =	shalt  }
0x58: {  	_ =	shalt  }
0x59: {  	_ =	shalt  }
0x5a: {  	_ =	shalt  }
0x5b: {  	_ =	shalt  }
0x5c: {  	_ =	shalt  }
0x5d: {  	_ =	shalt  }
0x5e: {  	_ =	shalt  }
0x5f: {  	_ =	shalt  }
0x60: {  	_ =	shalt  }
0x61: {  	_ =	shalt  }
0x62: {  	_ =	shalt  }
0x63: {  	_ =	shalt  }
0x64: {  	_ =	shalt  }
0x65: {  	_ =	shalt  }
0x66: {  	_ =	shalt  }
0x67: {  	_ =	shalt  }
0x68: {  	_ =	shalt  }
0x69: {  	_ =	shalt  }
0x6a: {  	_ =	shalt  }
0x6b: {  	_ =	shalt  }
0x6c: {  	_ =	shalt  }
0x6d: {  	_ =	shalt  }
0x6e: {  	_ =	shalt  }
0x6f: {  	_ =	shalt  }
0x70: {  	_ =	shalt  }
0x71: {  	_ =	shalt  }
0x72: {  	_ =	shalt  }
0x73: {  	_ =	shalt  }
0x74: {  	_ =	shalt  }
0x75: {  	_ =	shalt  }
0x76: {  	_ =	shalt  }
0x77: {  	_ =	shalt  }
0x78: {  	_ =	shalt  }
0x79: {  	_ =	shalt  }
0x7a: {  	_ =	shalt  }
0x7b: {  	_ =	shalt  }
0x7c: {  	_ =	shalt  }
0x7d: {  	_ =	shalt  }
0x7e: {  	_ =	shalt  }
0x7f: {  	_ =	shalt  }
0x80: {  	_ =	shalt  }
0x81: {  	_ =	shalt  }
0x82: {  	_ =	shalt  }
0x83: {  	_ =	shalt  }
0x84: {  	_ =	shalt  }
0x85: {  	_ =	shalt  }
0x86: {  	_ =	shalt  }
0x87: {  	_ =	shalt  }
.Lfunc_end0:
.L_simem_size_0:
called_computation_lowered:
.L_overlay_start_0:
0x88: {  	s2 =	sld [smem:$0x3FD9]  }
0x89: {  	s3 =	sld [smem:$0x3FFE];
	_ =	sdelay $0x1  }
0x8a: {  	s1 =	srdreg.scid  }
0x8b: {  	s0 =	sand.u32 $0x1, s1  }
0x8c: {  	s17 =	sshll.u32 s0, $0xA;
	s2 =	sadd.s32 s3, s2  }
0x8d: {  	s2 =	sadd.s32 s2, s17  }
0x8e: {  	[smem:$0x3FBF] =	sst s2  }
0x8f: {  	_ = 	snop  }
0x90: {  	s2 =	sld [smem:$0x3FD0];
	(tm) =	ssettm $0x1  }
0x91: {  	s18 =	sld [smem:$0x3FFB];
	_ =	sdelay $0x3  }
0x92: {  	_ =	strace s18  }
0x93: {  	s3 =	sld [smem:$0x3FFC];
	_ =	sdelay $0x3  }
0x94: {  	_ =	strace s3  }
0x95: {  	s3 =	sld [smem:$0x3FFD];
	_ =	sdelay $0x3  }
0x96: {  	_ =	strace s3  }
0x97: {  	_ =	strace $0x8FFFFFFF  }
0x98: {  	s19 =	sld [smem:$0x3FDB];
	_ =	sdelay $0x1  }
0x99: {  	s4 =	simm.s32 $_scs_section_size  }
0x9a: {  	s5 =	simm.s32 $_size__tile_overlayer_lowered;
	s6 =	simm.s32 $_tile_overlayer_lowered  }
0x9b: {  	s22 =	simm.s32 $0x1BFF;
	s21 =	sshll.u32 s6, $0x1;
	s3 =	sadd.s32 s4, s19  }
0x9c: {  	s7 =	simm.s32 $0x0;
	s20 =	sshll.u32 s5, $0x1;
	s5 =	sadd.s32 s21, s3  }
0x9d: {  	[timem:s7], [sflag:s22] =	dma.local [hbm:s5], s20  }
0x9e: {  	_ =	swait.ge [sflag:s22], s20  }
0x9f: {  	s4 =	ssub.s32 $0x0, s20;
	[sflag:s22] =	ssyncset.done $0x0  }
0xa0: {  	[sflag:s22] =	ssyncadd.s32 s4;
	_ =	sdelay $0x1  }
0xa1: {  	s23 =	simm.s32 $0x1B8B  }
0xa2: {  	_ =	swait.ge [sflag:s23], $0x1  }
0xa3: {  	[sflag:s23] =	ssyncset.done $0x0  }
0xa4: {  	s25 =	simm.s32 $0x1B8E;
	s24 =	sld [smem:$0x3FFE];
	[sflag:s23] =	ssyncadd.s32 $0xFFFFFFFF  }
0xa5: {  	s26 =	simm.s32 $execute0_lowered;
	[smem:$0x3FD2] =	sst s25  }
0xa6: {  	s5 =	sshll.u32 s26, $0x1;
	_ =	strace $0x80000049;
	[dreg:$0x1] =	wrdreg $0xFFFFFFFF  }
0xa7: {  	s28 =	simm.s32 $_size_execute0_lowered;
	s3 =	sadd.s32 s3, s5;
	[dreg:$0x0] =	wrdreg $0x0  }
0xa8: {  	s5 =	sshll.u32 s28, $0x1;
	[dreg:$0x2] =	wrdreg s3  }
0xa9: {  	[dreg:$0x3] =	wrdreg s5  }
0xaa: {  	[dreg:$0x4] =	wrdreg $0xC0  }
0xab: {  	_ =	task [dreg:s7], $0x5FFFF  }
0xac: {  	[dreg:$0x1] =	wrdreg $0xFFFFFFFF  }
0xad: {  	[dreg:$0x0] =	wrdreg $0x60  }
0xae: {  	[dreg:$0x2] =	wrdreg s24  }
0xaf: {  	[dreg:$0x3] =	wrdreg s2  }
0xb0: {  	[dreg:$0x4] =	wrdreg $0x9  }
0xb1: {  	_ =	task.clear_ibuf [dreg:s7], $0x5FFFF;
	_ =	strace $0x90000049  }
0xb2: {  	s29 =	simm.s32 $0x9;
	_ =	strace $0x8000004B  }
0xb3: {  	_ =	swait.ge [sflag:s29], $0x1  }
0xb4: {  	[sflag:s29] =	ssyncadd.s32 $0xFFFFFFFF  }
0xb5: {  	_ =	strace $0x9000004B  }
0xb6: {  	_ =	sfence  }
0xb7: {  	s30 =	sld [smem:$0x0];
	_ =	sdelay $0x2  }
0xb8: {  	s31 =	sshll.u32 s1, $0xD;
	s1 =	sshrl.u32 s1, $0x2  }
0xb9: {  	s3 =	sand.u32 $0x4000, s31;
	s1 =	sadd.s32 s1, s30  }
0xba: {  	s0 =	sor.u32 s3, s0;
	s1 =	sshll.u32 s1, $0x11  }
0xbb: {  	s0 =	sor.u32 s1, s0  }
0xbc: {  	s0 =	sadd.s32 $0x8F2B, s0  }
0xbd: {  	[sflag:s0] =	ssyncadd.remote.s32 $0x1  }
0xbe: {  	_ =	sfence.sel $0xFFFF  }
0xbf: {  	[dreg:$0x0] =	wrdreg $0xFFFFFFFF;
	(pc) =	sbr.abs _section_cstart, $3  }
0xc0: {  	[dreg:$0x1] =	wrdreg $0xFFFFFFFF  }
0xc1: {  	_ =	task.clear_ibuf [dreg:s7], $0x2FFFF;
	_ =	strace $0x9FFFFFFF  }
0xc2: {  	(tm) =	ssettm $0x7FFFFFFF  }
0xc3: {  	_ =	shalt  }
tec
execute0_lowered:
.L_overlay_start_1:
0x0: {  	(tag) =	ssettag $0x1  }
0x1: {  	s0 =	srdreg.scid  }
0x2: {  	s1 =	sshll.u32 s0, $0x4  }
0x3: {  	s0 =	stileid.u32;
	s1 =	sand.u32 $0x10, s1  }
0x4: {  	s1 =	sor.u32 s0, s1  }
0x5: {  	s2 =	smul.u32 $0x6, s1  }
0x6: {  	s9 =	rddreg [dreg:$0x0];
	s6 =	simm.s32 $0x1;
	s3 =	smin.u32 s1, $0x2  }
0x7: {  	p0 =	slt.u32 s1, $0x2;
	s1 =	simm.s32 $0x70;
	s2 =	sadd.s32 s3, s2  }
0x8: {  	s7 =	simm.s32 $0x2;
	s1 =	simm.s32 @!p0 $0x60;
	s2 =	sshll.u32 s2, $0x4  }
0x9: {  	s10 =	simm.s32 $0x3;
	s13 =	simm.s32 $0x0;
	s4 =	sadd.s32 s1, s2  }
0xa: {  	s12 =	simm.s32 $0x0;
	s5 =	sadd.s32 $0x1C00, s9;
	s4 =	smin.u32 s4, $0xC20  }
.Ltmp0:
0xb: {  	s3 =	rddreg [dreg:$0x1];
	s8 =	ssub.s32 s4, s2;
	(pc) =	sbr.rel .LBB2_1-.Ltmp0, $4  }
0xc: {  	s1 =	rddreg [dreg:$0x2];
	_ =	strace $0x8000004A;
	p0 =	sgt.s32 s8, $0x0  }
0xd: {  	s9 =	sadd.s32 $0x35E00, s9;
	[sflag:s6] =	ssyncpa.u1 $0x0;
	s8 =	simm.s32 @!p0 $0x0  }
0xe: {  	s11 =	smov.u32 s2;
	[sflag:s7] =	ssyncpa.u1 $0x0;
	s8 =	sshrl.u32 s8, $0x4  }
0xf: {  	vm0 =	vmmov $0xff;
	vm1 =	vcmask $0x3F20;
	[sflag:s10] =	ssyncpa.u1 $0x0;
	p0 =	por $0x0, $0x0;
	s10 =	sadd.s32 $0x1, s8  }
.LBB2_4:
0x10: {  	_ =	sdelay $0x3  }
0x11: {  	[tilespmem:s18], [sflag:$0x1] =	stream.indirect_vreg.gather [hbm:s5], $0x80, v0, vm1, $0x38;
	[tilespmem:$0x4020] =	vst v63  }
0x12: {  	s16 =	sshll.u32 s13, $0x4  }
0x13: {  	s31 =	sshll.u32 s13, $0x6;
	_ =	swait.ge [sflag:s6], $0x2000;
	s16 =	sand.u32 $0x70, s16  }
0x14: {  	s13 =	sand.u32 $0xFFFFFE00, s31;
	[sflag:s6] =	ssyncset.done $0x0;
	s16 =	sadd.s32 s3, s16  }
0x15: {  	[sflag:s6] =	ssyncadd.s32 $0xFFFFE000;
	s13 =	sadd.s32 s13, s16  }
0x16: {  	[hbm:s13] =	stream.linear.scatter [tilespmem:s15], [sflag:$0x3], $0x1000, $0x38;
	[tilespmem:$0x4020] =	vst v63  }
0x17: {  	s14 =	sadd.s32 $0x1020, s14;
	s13 =	sadd.s32 $0x200, s13  }
0x18: {  	[hbm:s13] =	stream.linear.scatter [tilespmem:s14], [sflag:$0x3], $0x1000, $0x38;
	[tilespmem:$0x4020] =	vst v63  }
.LBB2_5:
0x19: {  	s13 =	sadd.s32 $0x10, s11  }
0x1a: {  	s15 =	smov.u32 s2;
	p2 =	slt.s32 s13, s4  }
0x1b: {  	s15 =	smov.u32 @p2 s13;
	p2 =	sne.s32 s12, s10  }
.Ltmp1:
0x1c: {  	p1 =	slt.u32 s12, $0x2;
	(pc) =	sbr.rel @!p2 .LBB2_6-.Ltmp1, $4  }
0x1d: {  	s14 =	simm.s32 @!p1 $0x3  }
0x1e: {  	s16 =	sadd.s32 $0x1, s12;
	_ =	swait.ge @!p1 [sflag:s14], $0x2000  }
0x1f: {  	p0 =	por !p0, !p0;
	s13 =	smov.u32 s11;
	[sflag:s14] =	ssyncset.done @!p1 $0x0  }
0x20: {  	s12 =	smov.u32 s16;
	s11 =	smov.u32 s15;
	[sflag:s14] =	ssyncadd.s32 @!p1 $0xFFFFE000  }
.LBB2_1:
0x21: {  	p1 =	sge.u32 s12, s8  }
0x22: {  	s14 =	sxor.u32 @!p1 $0xFFFFFFFF, s12  }
0x23: {  	s31 =	sadd.s32 $0xFFFFFFFF, s12;
	s15 =	sshrl.u32 @!p1 s11, $0x3;
	s14 =	sshll.u32 @!p1 s14, $0x4  }
0x24: {  	s16 =	sand.u32 @!p1 $0x7, s11;
	s15 =	sadd.s32 @!p1 s9, s15;
	s14 =	sand.u32 @!p1 $0x10, s14  }
0x25: {  	[tilespmem:s14], [sflag:$0x2] =	stream.linear.gather @!p1 [hbm4b:s15+s16], $0x10, $0x38;
	[tilespmem:$0x4020] =	vst v63  }
0x26: {  	p1 =	sge.u32 s31, s8  }
.Ltmp2:
0x27: {  	_ = 	snop;
	(pc) =	sbr.rel @p1 .LBB2_5-.Ltmp2, $1  }
0x28: {  	_ =	sdelay $0x3  }
0x29: {  	_ =	swait.ge [sflag:s7], $0x10  }
0x2a: {  	s14 =	sand.u32 $0x1, s12;
	[sflag:s7] =	ssyncset.done $0x0  }
0x2b: {  	s15 =	sshll.u32 s14, $0x4;
	[sflag:s7] =	ssyncadd.s32 $0xFFFFFFF0  }
0x2c: {  	v0 =	vld.msk [tilespmem:s15+$0x0 ss:$0x1], $0xffff;
	_ =	sdelay $0x4  }
0x2d: {  	vm2 =	vgt.s32 v0, $0x0  }
0x2e: {  	v0 =	vnsel vm2, $0x0, v0  }
0x2f: {  	v0 =	vmin.u32 v0, $0xCFF  }
0x30: {  	v1 =	vshll.u32 v0, $0x6;
	v0 =	vshll.u32 v0, $0x4  }
0x31: {  	v1 =	vand.u32 $0x3FE00, v1;
	v0 =	vand.u32 $0x70, v0  }
0x32: {  	s15 =	simm.s32 $0x1;
	v0 =	vor.u32 v0, v1  }
0x33: {  	s15 =	simm.s32 @!p0 $0x0  }
0x34: {  	s15 =	sshll.u32 s15, $0xD  }
0x35: {  	s16 =	sor.u32 $0x20, s15  }
0x36: {  	s14 =	sshll.u32 s14, $0xD;
	s18 =	sadd.s32 $0x0, s16  }
0x37: {  	[tilespmem:s18], [sflag:$0x1] =	stream.indirect_vreg.gather [hbm:s5], $0x80, v0, vm0, $0x38;
	[tilespmem:$0x4020] =	vst v63  }
0x38: {  	s17 =	simm.s32 $0x1000;
	s15 =	sor.u32 $0x20, s14;
	v1 =	vadd.s32 $0x80, v0;
	s18 =	sadd.s32 $0x1000, s18  }
.LBB2_3:
0x39: {  	[tilespmem:s18], [sflag:$0x1] =	stream.indirect_vreg.gather [hbm:s5], $0x80, v0, vm1, $0x38;
	[tilespmem:$0x4020] =	vst v63  }
0x3a: {  	v0 =	vmov v1;
	s18 =	smov.u32 s17;
	p1 =	sne.s32 s17, $0x3000  }
.Ltmp3:
0x3b: {  	s17 =	sadd.s32 $0x1000, s17;
	(pc) =	sbr.rel @p1 .LBB2_3-.Ltmp3, $4  }
0x3c: {  	s18 =	sshra.s32 s18, $0x2  }
0x3d: {  	s18 =	sadd.s32 s18, s16  }
0x3e: {  	[tilespmem:s18], [sflag:$0x1] =	stream.indirect_vreg.gather [hbm:s5], $0x80, v1, vm0, $0x38;
	[tilespmem:$0x4020] =	vst v63  }
0x3f: {  	s18 =	sadd.s32 $0x1000, s18;
	v1 =	vadd.s32 $0x80, v1  }
.Ltmp4:
0x40: {  	_ = 	snop;
	(pc) =	sbr.rel .LBB2_4-.Ltmp4, $1  }
0x41: {  	_ =	sdelay $0x3  }
.LBB2_6:
0x42: {  	_ =	sfence.sel $0x180000  }
0x43: {  	s2 =	simm.s32 $0x2;
	[bflag:$0x0] =	sbarrier.arrive $0xFFFF  }
0x44: {  	s30 =	simm.s32 $0x3;
	[sflag:s2] =	ssyncpa.u1 $0x1  }
0x45: {  	s31 =	simm.s32 $0x1;
	[sflag:s30] =	ssyncpa.u1 $0x1  }
0x46: {  	[sflag:s31] =	ssyncpa.u1 $0x1  }
0x47: {  	p0 =	sne.s32 s0, $0x0;
	_ =	strace $0x9000004A  }
0x48: {  	s0 =	sadd.s32 @!p0 $0x100000, s1;
	[bflag:$0x2] =	sbarrier.arrive $0xFFFF  }
0x49: {  	[sflag:s0] =	ssyncadd.tile.s32 @!p0 $0x1;
	_ =	shalt  }
.Lfunc_end2:
_tile_overlayer_lowered:
.L_overlay_start_2:
0x4a: {  	(tag) =	ssettag $0x2  }
0x4b: {  	s0 =	rddreg [dreg:$0x0];
	s2 =	stileid.u32  }
0x4c: {  	s1 =	rddreg [dreg:$0x1];
	p0 =	sne.s32 s2, $0x0  }
0x4d: {  	s3 =	rddreg [dreg:$0x2];
	[bflag:$0x3] =	sbarrier.arrive $0xFFFF;
	s2 =	simm.s32 @!p0 $0x1C01  }
0x4e: {  	[timem:s3], [sflag:s2] =	dma.local @!p0 [hbm:s0], s1  }
0x4f: {  	s0 =	simm.s32 @!p0 $0x1  }
0x50: {  	_ =	swait.ge @!p0 [sflag:s0], s1  }
0x51: {  	s1 =	ssub.s32 @!p0 $0x0, s1;
	[sflag:s0] =	ssyncset.done @!p0 $0x0  }
0x52: {  	[sflag:s0] =	ssyncadd.s32 @!p0 s1  }
0x53: {  	[bflag:$0x3] =	sbarrier.arrive $0xFFFF  }
0x54: {  	_ =	shalt  }

// kernel: kernel.4.cloned.1.call-start
scs
__scs_entry_jumppad:
0x0: {  	(pc) =	sbr.rel $0x88, $3  }
0x1: {  	(tag) =	ssettag $0x0;
	lr =	simm.s32 $0x1  }
0x2: {  	[smem:$0x3F98] =	sst lr;
	_ =	strace $0xD0000000  }
0x3: {  	_ = 	snop  }
0x4: {  	_ = 	snop  }
0x5: {  	_ = 	snop  }
0x6: {  	_ = 	snop  }
0x7: {  	_ = 	snop  }
__scs_overlays_trampoline_lowered:
0x8: {  	[smem:$0x3FA7] =	sst s0  }
0x9: {  	[smem:$0x3FA8] =	sst s1  }
0xa: {  	[smem:$0x3FA9] =	sst s2  }
0xb: {  	[smem:$0x3FAA] =	sst s3  }
0xc: {  	[smem:$0x3FAB] =	sst s4  }
0xd: {  	[smem:$0x3FAC] =	sst s5  }
0xe: {  	[smem:$0x3FAD] =	sst s6  }
0xf: {  	[smem:$0x3FAE] =	sst s7  }
0x10: {  	[smem:$0x3FAF] =	sst s8  }
0x11: {  	[smem:$0x3FB0] =	sst s9;
	s0 =	simm.s32 @!p0 $0x0  }
0x12: {  	s1 =	sld [smem:$0x3F96];
	s0 =	simm.s32 @p0 $0x1  }
0x13: {  	[smem:$0x3FB1] =	sst s0;
	s0 =	simm.s32 @!p1 $0x0  }
0x14: {  	s2 =	sld [smem:$0x3F95];
	s0 =	simm.s32 @p1 $0x1  }
0x15: {  	[smem:$0x3FB2] =	sst s0;
	s0 =	simm.s32 @!p2 $0x0  }
0x16: {  	s3 =	sld [smem:$0x3FDB];
	s0 =	simm.s32 @p2 $0x1  }
0x17: {  	s4 =	simm.s32 $0x1BF5;
	[smem:$0x3FB4] =	sst s0  }
0x18: {  	s0 =	sld [smem:$0x3F97];
	_ =	swait.ge [sflag:s4], $0x0  }
0x19: {  	s7 =	sld [smem:$0x3F98]  }
0x1a: {  	s8 =	sadd.s32 $0xFFFFE003, lr  }
0x1b: {  	s9 =	sadd.s32 $0xFFFFFEF7, lr;
	s5 =	simm.s32 $0xFFFFFFFF;
	p2 =	slt.u32 s8, $0xFFFFF086  }
0x1c: {  	p1 =	slt.u32 s9, $0xF7A;
	s5 =	simm.s32 @!p2 $0x0  }
0x1d: {  	s5 =	simm.s32 @p1 $0x1;
	p0 =	seq.s32 s7, s2  }
0x1e: {  	s7 =	smul.u32 @!p0 $0xF7A, s2;
	p2 =	seq.s32 @!p0 s5, $0x0  }
0x1f: {  	s9 =	smul.u32 $0xF7A, s1;
	s8 =	simm.s32 @!p0 $0x1BF5;
	p2 =	por !p2, p0  }
0x20: {  	[sflag:s8] =	ssyncset.s32 @!p0 $0xFFFFF086;
	s6 =	sadd.s32 @!p0 s3, s7;
	s7 =	simm.s32 @!p0 $0x108  }
0x21: {  	s3 =	sadd.s32 s3, s9;
	s6 =	sadd.s32 @!p0 $0x88, s6;
	s7 =	simm.s32 @p2 $0x1082  }
0x22: {  	[simem:s7], [sflag:s8] =	dma.local @!p0 [hbm:s6], $0xF7A  }
0x23: {  	s9 =	sor.u32 $0xD0000000, s2;
	s6 =	simm.s32 $0x108;
	_ =	swait.ge @!p0 [sflag:s8], $0x0  }
0x24: {  	s3 =	sadd.s32 $0x88, s3;
	s6 =	simm.s32 @!p1 $0x1082;
	[sflag:s4] =	ssyncset.s32 $0xFFFFF086  }
0x25: {  	[simem:s6], [sflag:s4] =	dma.local [hbm:s3], $0xF7A  }
0x26: {  	[smem:$0x3F98] =	sst s1;
	(tag) =	ssettag s2;
	_ =	strace s9  }
0x27: {  	s1 =	sld [smem:$0x3FA8]  }
0x28: {  	s2 =	sld [smem:$0x3FA9]  }
0x29: {  	s4 =	sld [smem:$0x3FAB]  }
0x2a: {  	p0 =	seq.s32 s5, $0x0;
	s5 =	sld [smem:$0x3FAC]  }
0x2b: {  	s6 =	sld [smem:$0x3FAD]  }
0x2c: {  	s7 =	sld [smem:$0x3FAE]  }
0x2d: {  	s3 =	simm.s32 $0x108;
	s8 =	sld [smem:$0x3FAF]  }
0x2e: {  	s3 =	simm.s32 @!p0 $0x1082;
	s9 =	sld [smem:$0x3FB0]  }
0x2f: {  	lr =	sadd.s32 s0, s3;
	s0 =	sld [smem:$0x3FA7]  }
0x30: {  	s3 =	sld [smem:$0x3FAA]  }
0x31: {  	[smem:$0x3FB3] =	sst s10  }
0x32: {  	s10 =	sld [smem:$0x3FB1];
	_ =	sdelay $0x3  }
0x33: {  	p0 =	seq.s32 s10, $0x1;
	s10 =	sld [smem:$0x3FB3];
	_ =	sdelay $0x3  }
0x34: {  	[smem:$0x3FB3] =	sst s10  }
0x35: {  	s10 =	sld [smem:$0x3FB2];
	_ =	sdelay $0x3  }
0x36: {  	p1 =	seq.s32 s10, $0x1;
	s10 =	sld [smem:$0x3FB3];
	_ =	sdelay $0x3  }
0x37: {  	[smem:$0x3FB3] =	sst s10  }
0x38: {  	s10 =	sld [smem:$0x3FB4]  }
0x39: {  	_ = 	snop;
	(pc) =	sbr.ind lr, $3  }
0x3a: {  	_ = 	snop  }
0x3b: {  	_ = 	snop  }
0x3c: {  	p2 =	seq.s32 s10, $0x1;
	s10 =	sld [smem:$0x3FB3]  }
0x3d: {  	_ =	shalt  }
0x3e: {  	_ =	shalt  }
0x3f: {  	_ =	shalt  }
0x40: {  	_ =	shalt  }
0x41: {  	_ =	shalt  }
0x42: {  	_ =	shalt  }
0x43: {  	_ =	shalt  }
0x44: {  	_ =	shalt  }
0x45: {  	_ =	shalt  }
0x46: {  	_ =	shalt  }
0x47: {  	_ =	shalt  }
0x48: {  	_ =	shalt  }
0x49: {  	_ =	shalt  }
0x4a: {  	_ =	shalt  }
0x4b: {  	_ =	shalt  }
0x4c: {  	_ =	shalt  }
0x4d: {  	_ =	shalt  }
0x4e: {  	_ =	shalt  }
0x4f: {  	_ =	shalt  }
0x50: {  	_ =	shalt  }
0x51: {  	_ =	shalt  }
0x52: {  	_ =	shalt  }
0x53: {  	_ =	shalt  }
0x54: {  	_ =	shalt  }
0x55: {  	_ =	shalt  }
0x56: {  	_ =	shalt  }
0x57: {  	_ =	shalt  }
0x58: {  	_ =	shalt  }
0x59: {  	_ =	shalt  }
0x5a: {  	_ =	shalt  }
0x5b: {  	_ =	shalt  }
0x5c: {  	_ =	shalt  }
0x5d: {  	_ =	shalt  }
0x5e: {  	_ =	shalt  }
0x5f: {  	_ =	shalt  }
0x60: {  	_ =	shalt  }
0x61: {  	_ =	shalt  }
0x62: {  	_ =	shalt  }
0x63: {  	_ =	shalt  }
0x64: {  	_ =	shalt  }
0x65: {  	_ =	shalt  }
0x66: {  	_ =	shalt  }
0x67: {  	_ =	shalt  }
0x68: {  	_ =	shalt  }
0x69: {  	_ =	shalt  }
0x6a: {  	_ =	shalt  }
0x6b: {  	_ =	shalt  }
0x6c: {  	_ =	shalt  }
0x6d: {  	_ =	shalt  }
0x6e: {  	_ =	shalt  }
0x6f: {  	_ =	shalt  }
0x70: {  	_ =	shalt  }
0x71: {  	_ =	shalt  }
0x72: {  	_ =	shalt  }
0x73: {  	_ =	shalt  }
0x74: {  	_ =	shalt  }
0x75: {  	_ =	shalt  }
0x76: {  	_ =	shalt  }
0x77: {  	_ =	shalt  }
0x78: {  	_ =	shalt  }
0x79: {  	_ =	shalt  }
0x7a: {  	_ =	shalt  }
0x7b: {  	_ =	shalt  }
0x7c: {  	_ =	shalt  }
0x7d: {  	_ =	shalt  }
0x7e: {  	_ =	shalt  }
0x7f: {  	_ =	shalt  }
0x80: {  	_ =	shalt  }
0x81: {  	_ =	shalt  }
0x82: {  	_ =	shalt  }
0x83: {  	_ =	shalt  }
0x84: {  	_ =	shalt  }
0x85: {  	_ =	shalt  }
0x86: {  	_ =	shalt  }
0x87: {  	_ =	shalt  }
.Lfunc_end0:
.L_simem_size_0:
called_computation.1_lowered:
.L_overlay_start_0:
0x88: {  	s2 =	sld [smem:$0x3FD9]  }
0x89: {  	s3 =	sld [smem:$0x3FFE];
	_ =	sdelay $0x1  }
0x8a: {  	s1 =	srdreg.scid  }
0x8b: {  	s0 =	sand.u32 $0x1, s1  }
0x8c: {  	s17 =	sshll.u32 s0, $0xA;
	s2 =	sadd.s32 s3, s2  }
0x8d: {  	s2 =	sadd.s32 s2, s17  }
0x8e: {  	[smem:$0x3FBF] =	sst s2  }
0x8f: {  	_ = 	snop  }
0x90: {  	s2 =	sld [smem:$0x3FC9]  }
0x91: {  	s18 =	sld [smem:$0x3FC8]  }
0x92: {  	s4 =	sld [smem:$0x3FC7]  }
0x93: {  	s5 =	sld [smem:$0x3FD0];
	(tm) =	ssettm $0x1  }
0x94: {  	s6 =	sld [smem:$0x3FFB];
	_ =	sdelay $0x3  }
0x95: {  	_ =	strace s6  }
0x96: {  	s6 =	sld [smem:$0x3FFC];
	_ =	sdelay $0x3  }
0x97: {  	_ =	strace s6  }
0x98: {  	s6 =	sld [smem:$0x3FFD];
	_ =	sdelay $0x3  }
0x99: {  	_ =	strace s6  }
0x9a: {  	_ =	strace $0x8FFFFFFF  }
0x9b: {  	s19 =	sld [smem:$0x3FDB];
	_ =	sdelay $0x1  }
0x9c: {  	s7 =	simm.s32 $_scs_section_size  }
0x9d: {  	s8 =	simm.s32 $_size__tile_overlayer_lowered;
	s9 =	simm.s32 $_tile_overlayer_lowered  }
0x9e: {  	s22 =	simm.s32 $0x1BFF;
	s21 =	sshll.u32 s9, $0x1;
	s6 =	sadd.s32 s7, s19  }
0x9f: {  	s10 =	simm.s32 $0x0;
	s20 =	sshll.u32 s8, $0x1;
	s8 =	sadd.s32 s21, s6  }
0xa0: {  	[timem:s10], [sflag:s22] =	dma.local [hbm:s8], s20  }
0xa1: {  	_ =	swait.ge [sflag:s22], s20  }
0xa2: {  	s7 =	ssub.s32 $0x0, s20;
	[sflag:s22] =	ssyncset.done $0x0  }
0xa3: {  	[sflag:s22] =	ssyncadd.s32 s7;
	_ =	sdelay $0x1  }
0xa4: {  	s23 =	simm.s32 $0x1B8B  }
0xa5: {  	_ =	swait.ge [sflag:s23], $0x1  }
0xa6: {  	[sflag:s23] =	ssyncset.done $0x0  }
0xa7: {  	s25 =	simm.s32 $0x1B8E;
	s24 =	sld [smem:$0x3FFE];
	[sflag:s23] =	ssyncadd.s32 $0xFFFFFFFF  }
0xa8: {  	s26 =	simm.s32 $execute0_lowered;
	[smem:$0x3FD2] =	sst s25  }
0xa9: {  	s8 =	sshll.u32 s26, $0x1;
	_ =	strace $0x80000046;
	[dreg:$0x1] =	wrdreg $0xFFFFFFFF  }
0xaa: {  	s28 =	simm.s32 $_size_execute0_lowered;
	s6 =	sadd.s32 s6, s8;
	[dreg:$0x0] =	wrdreg $0x0  }
0xab: {  	s8 =	sshll.u32 s28, $0x1;
	[dreg:$0x2] =	wrdreg s6  }
0xac: {  	[dreg:$0x3] =	wrdreg s8  }
0xad: {  	[dreg:$0x4] =	wrdreg $0xC0  }
0xae: {  	_ =	task [dreg:s10], $0x5FFFF  }
0xaf: {  	[dreg:$0x1] =	wrdreg $0xFFFFFFFF  }
0xb0: {  	[dreg:$0x0] =	wrdreg $0x60  }
0xb1: {  	[dreg:$0x2] =	wrdreg s2  }
0xb2: {  	[dreg:$0x3] =	wrdreg s18  }
0xb3: {  	[dreg:$0x4] =	wrdreg s4  }
0xb4: {  	[dreg:$0x5] =	wrdreg s5  }
0xb5: {  	[dreg:$0x6] =	wrdreg s24  }
0xb6: {  	[dreg:$0x7] =	wrdreg $0x9  }
0xb7: {  	_ =	task.clear_ibuf [dreg:s10], $0x8FFFF;
	_ =	strace $0x90000046  }
0xb8: {  	s29 =	simm.s32 $0x9;
	_ =	strace $0x80000048  }
0xb9: {  	_ =	swait.ge [sflag:s29], $0x1  }
0xba: {  	[sflag:s29] =	ssyncadd.s32 $0xFFFFFFFF  }
0xbb: {  	_ =	strace $0x90000048  }
0xbc: {  	_ =	sfence  }
0xbd: {  	s30 =	sld [smem:$0x0];
	_ =	sdelay $0x2  }
0xbe: {  	s31 =	sshll.u32 s1, $0xD;
	s1 =	sshrl.u32 s1, $0x2  }
0xbf: {  	s3 =	sand.u32 $0x4000, s31;
	s1 =	sadd.s32 s1, s30  }
0xc0: {  	s0 =	sor.u32 s3, s0;
	s1 =	sshll.u32 s1, $0x11  }
0xc1: {  	s0 =	sor.u32 s1, s0  }
0xc2: {  	s0 =	sadd.s32 $0x8F2B, s0  }
0xc3: {  	[sflag:s0] =	ssyncadd.remote.s32 $0x1  }
0xc4: {  	_ =	sfence.sel $0xFFFF  }
0xc5: {  	[dreg:$0x0] =	wrdreg $0xFFFFFFFF;
	(pc) =	sbr.abs _section_cstart, $3  }
0xc6: {  	[dreg:$0x1] =	wrdreg $0xFFFFFFFF  }
0xc7: {  	_ =	task.clear_ibuf [dreg:s10], $0x2FFFF;
	_ =	strace $0x9FFFFFFF  }
0xc8: {  	(tm) =	ssettm $0x7FFFFFFF  }
0xc9: {  	_ =	shalt  }
tec
execute0_lowered:
.L_overlay_start_1:
0x0: {  	(tag) =	ssettag $0x1  }
0x1: {  	s0 =	rddreg [dreg:$0x0]  }
0x2: {  	s1 =	rddreg [dreg:$0x1]  }
0x3: {  	s16 =	rddreg [dreg:$0x2];
	s2 =	srdreg.scid  }
0x4: {  	s17 =	stileid.u32;
	s4 =	rddreg [dreg:$0x3]  }
0x5: {  	s5 =	rddreg [dreg:$0x4];
	s21 =	simm.s32 $0x80;
	s22 =	simm.s32 $0x980  }
0x6: {  	s23 =	simm.s32 $0x1180;
	s24 =	simm.s32 $0x1980;
	s25 =	simm.s32 $0x2180  }
0x7: {  	s8 =	simm.s32 $0x100;
	s26 =	simm.s32 $0x2980;
	s9 =	simm.s32 $0x1  }
0x8: {  	s10 =	simm.s32 $0x180;
	s13 =	simm.s32 $0x4180;
	s14 =	simm.s32 $0x4980  }
0x9: {  	[dreg:$0x6] =	wrdreg s1;
	s2 =	sand.u32 $0x1, s2;
	s3 =	sshll.u32 s17, $0x1  }
0xa: {  	[dreg:$0x7] =	wrdreg s16;
	s6 =	sor.u32 s2, s3;
	s3 =	simm.s32 $0x0  }
0xb: {  	s15 =	simm.s32 $0x5180;
	s28 =	simm.s32 $0xB180;
	[smem:$0x7FF] =	sst s3  }
0xc: {  	s29 =	simm.s32 $0xB980;
	_ =	strace $0x80000047;
	[dreg:$0xb] =	wrdreg s21  }
0xd: {  	s30 =	simm.s32 $0xC180;
	s31 =	simm.s32 $0xC980;
	[dreg:$0xc] =	wrdreg s22  }
0xe: {  	s16 =	simm.s32 $0x5980;
	s17 =	simm.s32 $0x6180;
	[dreg:$0xd] =	wrdreg s23  }
0xf: {  	s2 =	ssub.s32 $0x2, s2;
	s7 =	smul.u32 $0x1A00, s6;
	[dreg:$0xe] =	wrdreg s24  }
0x10: {  	s6 =	smul.u32 $0xD, s6;
	s19 =	sshrl.u32 s2, $0x1;
	[dreg:$0xf] =	wrdreg s25  }
0x11: {  	s2 =	ssub.s32 s2, s19;
	[dreg:$0x10] =	wrdreg s26;
	s19 =	simm.s32 $0x7180  }
0x12: {  	s21 =	simm.s32 $0x8180;
	s22 =	simm.s32 $0x8980;
	s23 =	simm.s32 $0x9180  }
0x13: {  	s24 =	simm.s32 $0x9980;
	s25 =	simm.s32 $0xA180;
	s26 =	simm.s32 $0xA980  }
0x14: {  	s7 =	sadd.s32 s7, s5;
	s5 =	sadd.s32 s6, s5;
	s4 =	sadd.s32 s4, s6  }
0x15: {  	s6 =	simm.s32 $0x3;
	[dreg:$0x8] =	wrdreg s4;
	s18 =	sadd.s32 $0x1E00, s7  }
0x16: {  	v2 =	vlaneseq.u32;
	s20 =	sadd.s32 $0x1C00, s5;
	s4 =	sadd.s32 $0x100, s0;
	s5 =	smax.u32 s2, $0x1  }
0x17: {  	vm0 =	vmmov $0xffff;
	v1 =	vshrl.u32 v2, $0x3;
	s7 =	simm.s32 $0x68;
	s2 =	simm.s32 $0x2;
	[dreg:$0x9] =	wrdreg s18  }
0x18: {  	v0 =	vand.u32 $0x7, v2;
	v2 =	vor.u32 $0x8, v2;
	v1 =	vmul.u32 $0x8, v1;
	[dreg:$0xa] =	wrdreg s20;
	s18 =	simm.s32 $0x6980;
	s20 =	simm.s32 $0x7980  }
.LBB2_1:
0x19: {  	s1 =	rddreg [dreg:$0x8]  }
0x1a: {  	[tilespmem:s3], [sflag:$0x3] =	stream.linear.gather [hbm4b:s1+s3], $0x68, $0x38;
	[tilespmem:$0xD180] =	vst v63  }
0x1b: {  	_ =	swait.ge [sflag:s6], $0x68  }
0x1c: {  	s1 =	rddreg [dreg:$0x6];
	[sflag:s6] =	ssyncset.done $0x0  }
0x1d: {  	s11 =	rddreg [dreg:$0xb];
	[sflag:s6] =	ssyncadd.s32 $0xFFFFFF98  }
0x1e: {  	[tilespmem:s11], [sflag:$0x1] =	stream.indirect.gather [hbm4b:s1+s7], $0x1, s3, s7, $0xb8;
	[tilespmem:$0xD180] =	vst v63  }
0x1f: {  	s12 =	rddreg [dreg:$0x7]  }
0x20: {  	[tilespmem:s8], [sflag:$0x2] =	stream.indirect.gather [hbm4b:s12+s7], $0x1, s3, s7, $0xb8;
	[tilespmem:$0xD180] =	vst v63  }
0x21: {  	_ =	swait.ge [sflag:s9], $0x68  }
0x22: {  	[sflag:s9] =	ssyncset.done $0x0  }
0x23: {  	[sflag:s9] =	ssyncadd.s32 $0xFFFFFF98  }
0x24: {  	v3 =	vld [tilespmem:$0x80];
	_ =	sdelay $0x4  }
0x25: {  	v4 =	vshll.u32 v3, $0x2  }
0x26: {  	v3 =	vand.u32 $0x7, v3;
	v4 =	vand.u32 $0xFFFFFFE0, v4  }
0x27: {  	v3 =	vor.u32 v3, v4  }
0x28: {  	v4 =	vperm.xlane v3, v0;
	_ =	sdelay $0x1  }
0x29: {  	v4 =	vadd.s32 v1, v4;
	_ =	sdelay $0x1  }
0x2a: {  	v3 =	vperm.xlane v3, v2;
	_ =	sdelay $0x1  }
0x2b: {  	v3 =	vadd.s32 v1, v3  }
0x2c: {  	[tilespmem:s10], [sflag:$0x1] =	stream.indirect_vreg.gather [hbm4b:s0+s3], $0x80, v4, vm0, $0xb8;
	[tilespmem:$0xD180] =	vst v63  }
0x2d: {  	s12 =	rddreg [dreg:$0xc]  }
0x2e: {  	[tilespmem:s12], [sflag:$0x1] =	stream.indirect_vreg.gather [hbm4b:s4+s3], $0x80, v4, vm0, $0xb8;
	[tilespmem:$0xD180] =	vst v63  }
0x2f: {  	s11 =	rddreg [dreg:$0xd]  }
0x30: {  	[tilespmem:s11], [sflag:$0x1] =	stream.indirect_vreg.gather [hbm4b:s0+s3], $0x80, v3, vm0, $0xb8;
	[tilespmem:$0xD180] =	vst v63  }
0x31: {  	s12 =	rddreg [dreg:$0xe]  }
0x32: {  	[tilespmem:s12], [sflag:$0x1] =	stream.indirect_vreg.gather [hbm4b:s4+s3], $0x80, v3, vm0, $0xb8;
	[tilespmem:$0xD180] =	vst v63  }
0x33: {  	v3 =	vld [tilespmem:$0x90];
	_ =	sdelay $0x4  }
0x34: {  	v58 =	vshll.u32 v3, $0x2  }
0x35: {  	v3 =	vand.u32 $0x7, v3;
	v4 =	vand.u32 $0xFFFFFFE0, v58  }
0x36: {  	v3 =	vor.u32 v3, v4  }
0x37: {  	v4 =	vperm.xlane v3, v0;
	_ =	sdelay $0x1  }
0x38: {  	v4 =	vadd.s32 v1, v4;
	_ =	sdelay $0x1  }
0x39: {  	v3 =	vperm.xlane v3, v2;
	_ =	sdelay $0x1  }
0x3a: {  	s11 =	rddreg [dreg:$0xf];
	v3 =	vadd.s32 v1, v3  }
0x3b: {  	[tilespmem:s11], [sflag:$0x1] =	stream.indirect_vreg.gather [hbm4b:s0+s3], $0x80, v4, vm0, $0xb8;
	[tilespmem:$0xD180] =	vst v63  }
0x3c: {  	s12 =	rddreg [dreg:$0x10]  }
0x3d: {  	[tilespmem:s12], [sflag:$0x1] =	stream.indirect_vreg.gather [hbm4b:s4+s3], $0x80, v4, vm0, $0xb8;
	[tilespmem:$0xD180] =	vst v63  }
0x3e: {  	s11 =	simm.s32 $0x3180  }
0x3f: {  	[tilespmem:s11], [sflag:$0x1] =	stream.indirect_vreg.gather [hbm4b:s0+s3], $0x80, v3, vm0, $0xb8;
	[tilespmem:$0xD180] =	vst v63  }
0x40: {  	s12 =	simm.s32 $0x3980  }
0x41: {  	[tilespmem:s12], [sflag:$0x1] =	stream.indirect_vreg.gather [hbm4b:s4+s3], $0x80, v3, vm0, $0xb8;
	[tilespmem:$0xD180] =	vst v63  }
0x42: {  	v3 =	vld [tilespmem:$0xA0];
	_ =	sdelay $0x4  }
0x43: {  	v59 =	vshll.u32 v3, $0x2  }
0x44: {  	v3 =	vand.u32 $0x7, v3;
	v4 =	vand.u32 $0xFFFFFFE0, v59  }
0x45: {  	v3 =	vor.u32 v3, v4  }
0x46: {  	v4 =	vperm.xlane v3, v0;
	_ =	sdelay $0x1  }
0x47: {  	v4 =	vadd.s32 v1, v4;
	_ =	sdelay $0x1  }
0x48: {  	v3 =	vperm.xlane v3, v2;
	_ =	sdelay $0x1  }
0x49: {  	v3 =	vadd.s32 v1, v3  }
0x4a: {  	[tilespmem:s13], [sflag:$0x1] =	stream.indirect_vreg.gather [hbm4b:s0+s3], $0x80, v4, vm0, $0xb8;
	[tilespmem:$0xD180] =	vst v63  }
0x4b: {  	_ = 	snop  }
0x4c: {  	[tilespmem:s14], [sflag:$0x1] =	stream.indirect_vreg.gather [hbm4b:s4+s3], $0x80, v4, vm0, $0xb8;
	[tilespmem:$0xD180] =	vst v63  }
0x4d: {  	_ = 	snop  }
0x4e: {  	[tilespmem:s15], [sflag:$0x1] =	stream.indirect_vreg.gather [hbm4b:s0+s3], $0x80, v3, vm0, $0xb8;
	[tilespmem:$0xD180] =	vst v63  }
0x4f: {  	_ = 	snop  }
0x50: {  	[tilespmem:s16], [sflag:$0x1] =	stream.indirect_vreg.gather [hbm4b:s4+s3], $0x80, v3, vm0, $0xb8;
	[tilespmem:$0xD180] =	vst v63  }
0x51: {  	v3 =	vld [tilespmem:$0xB0];
	_ =	sdelay $0x4  }
0x52: {  	v60 =	vshll.u32 v3, $0x2  }
0x53: {  	v3 =	vand.u32 $0x7, v3;
	v4 =	vand.u32 $0xFFFFFFE0, v60  }
0x54: {  	v3 =	vor.u32 v3, v4  }
0x55: {  	v4 =	vperm.xlane v3, v0;
	_ =	sdelay $0x1  }
0x56: {  	v4 =	vadd.s32 v1, v4;
	_ =	sdelay $0x1  }
0x57: {  	v3 =	vperm.xlane v3, v2;
	_ =	sdelay $0x1  }
0x58: {  	v3 =	vadd.s32 v1, v3  }
0x59: {  	[tilespmem:s17], [sflag:$0x1] =	stream.indirect_vreg.gather [hbm4b:s0+s3], $0x80, v4, vm0, $0xb8;
	[tilespmem:$0xD180] =	vst v63  }
0x5a: {  	_ = 	snop  }
0x5b: {  	[tilespmem:s18], [sflag:$0x1] =	stream.indirect_vreg.gather [hbm4b:s4+s3], $0x80, v4, vm0, $0xb8;
	[tilespmem:$0xD180] =	vst v63  }
0x5c: {  	_ = 	snop  }
0x5d: {  	[tilespmem:s19], [sflag:$0x1] =	stream.indirect_vreg.gather [hbm4b:s0+s3], $0x80, v3, vm0, $0xb8;
	[tilespmem:$0xD180] =	vst v63  }
0x5e: {  	_ = 	snop  }
0x5f: {  	[tilespmem:s20], [sflag:$0x1] =	stream.indirect_vreg.gather [hbm4b:s4+s3], $0x80, v3, vm0, $0xb8;
	[tilespmem:$0xD180] =	vst v63  }
0x60: {  	v3 =	vld [tilespmem:$0xC0];
	_ =	sdelay $0x4  }
0x61: {  	v61 =	vshll.u32 v3, $0x2  }
0x62: {  	v3 =	vand.u32 $0x7, v3;
	v4 =	vand.u32 $0xFFFFFFE0, v61  }
0x63: {  	v3 =	vor.u32 v3, v4  }
0x64: {  	v4 =	vperm.xlane v3, v0;
	_ =	sdelay $0x1  }
0x65: {  	v4 =	vadd.s32 v1, v4;
	_ =	sdelay $0x1  }
0x66: {  	v3 =	vperm.xlane v3, v2;
	_ =	sdelay $0x1  }
0x67: {  	v3 =	vadd.s32 v1, v3  }
0x68: {  	[tilespmem:s21], [sflag:$0x1] =	stream.indirect_vreg.gather [hbm4b:s0+s3], $0x80, v4, vm0, $0xb8;
	[tilespmem:$0xD180] =	vst v63  }
0x69: {  	_ = 	snop  }
0x6a: {  	[tilespmem:s22], [sflag:$0x1] =	stream.indirect_vreg.gather [hbm4b:s4+s3], $0x80, v4, vm0, $0xb8;
	[tilespmem:$0xD180] =	vst v63  }
0x6b: {  	_ = 	snop  }
0x6c: {  	[tilespmem:s23], [sflag:$0x1] =	stream.indirect_vreg.gather [hbm4b:s0+s3], $0x80, v3, vm0, $0xb8;
	[tilespmem:$0xD180] =	vst v63  }
0x6d: {  	_ = 	snop  }
0x6e: {  	[tilespmem:s24], [sflag:$0x1] =	stream.indirect_vreg.gather [hbm4b:s4+s3], $0x80, v3, vm0, $0xb8;
	[tilespmem:$0xD180] =	vst v63  }
0x6f: {  	v3 =	vld [tilespmem:$0xD0];
	_ =	sdelay $0x4  }
0x70: {  	v62 =	vshll.u32 v3, $0x2  }
0x71: {  	v3 =	vand.u32 $0x7, v3;
	v4 =	vand.u32 $0xFFFFFFE0, v62  }
0x72: {  	v3 =	vor.u32 v3, v4  }
0x73: {  	v4 =	vperm.xlane v3, v0;
	_ =	sdelay $0x1  }
0x74: {  	v4 =	vadd.s32 v1, v4;
	_ =	sdelay $0x1  }
0x75: {  	v3 =	vperm.xlane v3, v2;
	_ =	sdelay $0x1  }
0x76: {  	v3 =	vadd.s32 v1, v3  }
0x77: {  	[tilespmem:s25], [sflag:$0x1] =	stream.indirect_vreg.gather [hbm4b:s0+s3], $0x80, v4, vm0, $0xb8;
	[tilespmem:$0xD180] =	vst v63  }
0x78: {  	_ = 	snop  }
0x79: {  	[tilespmem:s26], [sflag:$0x1] =	stream.indirect_vreg.gather [hbm4b:s4+s3], $0x80, v4, vm0, $0xb8;
	[tilespmem:$0xD180] =	vst v63  }
0x7a: {  	_ = 	snop  }
0x7b: {  	[tilespmem:s28], [sflag:$0x1] =	stream.indirect_vreg.gather [hbm4b:s0+s3], $0x80, v3, vm0, $0xb8;
	[tilespmem:$0xD180] =	vst v63  }
0x7c: {  	_ = 	snop  }
0x7d: {  	[tilespmem:s29], [sflag:$0x1] =	stream.indirect_vreg.gather [hbm4b:s4+s3], $0x80, v3, vm0, $0xb8;
	[tilespmem:$0xD180] =	vst v63  }
0x7e: {  	v3 =	vld.msk [tilespmem:$0xE0], $0xff;
	_ =	sdelay $0x4  }
0x7f: {  	v63 =	vshll.u32 v3, $0x2  }
0x80: {  	v3 =	vand.u32 $0x7, v3;
	v4 =	vand.u32 $0xFFFFFFE0, v63  }
0x81: {  	v3 =	vor.u32 v3, v4  }
0x82: {  	v3 =	vperm.xlane v3, v0;
	_ =	sdelay $0x1  }
0x83: {  	v3 =	vadd.s32 v1, v3;
	_ =	sdelay $0x4  }
0x84: {  	[tilespmem:s30], [sflag:$0x1] =	stream.indirect_vreg.gather [hbm4b:s0+s3], $0x80, v3, vm0, $0xb8;
	[tilespmem:$0xD180] =	vst v63  }
0x85: {  	_ = 	snop  }
0x86: {  	[tilespmem:s31], [sflag:$0x1] =	stream.indirect_vreg.gather [hbm4b:s4+s3], $0x80, v3, vm0, $0xb8;
	[tilespmem:$0xD180] =	vst v63  }
0x87: {  	_ =	swait.ge [sflag:s9], $0xD000  }
0x88: {  	[sflag:s9] =	ssyncset.done $0x0  }
0x89: {  	[sflag:s9] =	ssyncadd.s32 $0xFFFF3000  }
0x8a: {  	_ =	swait.ge [sflag:s2], $0x68  }
0x8b: {  	[sflag:s2] =	ssyncset.done $0x0  }
0x8c: {  	s11 =	rddreg [dreg:$0x9];
	[sflag:s2] =	ssyncadd.s32 $0xFFFFFF98  }
0x8d: {  	[hbm4b:s11+s3] =	stream.linear.scatter [tilespmem:s10], [sflag:$0x3], $0xD000, $0x38;
	[tilespmem:$0xD180] =	vst v63  }
0x8e: {  	_ =	swait.ge [sflag:s6], $0xD000  }
0x8f: {  	p0 =	sne.s32 s5, $0x1;
	[sflag:s6] =	ssyncset.done $0x0  }
.Ltmp0:
0x90: {  	s12 =	rddreg [dreg:$0xa];
	[sflag:s6] =	ssyncadd.s32 $0xFFFF3000;
	(pc) =	sbr.rel @p0 .LBB2_1-.Ltmp0, $4  }
0x91: {  	[hbm4b:s12+s3] =	stream.linear.scatter [tilespmem:s8], [sflag:$0x3], $0x68, $0x38;
	[tilespmem:$0xD180] =	vst v63  }
0x92: {  	_ =	swait.ge [sflag:s6], $0x68  }
0x93: {  	[sflag:s6] =	ssyncset.done $0x0  }
0x94: {  	s5 =	sadd.s32 $0xFFFFFFFF, s5;
	[sflag:s6] =	ssyncadd.s32 $0xFFFFFF98  }
0x95: {  	_ =	sfence.sel $0x180000  }
0x96: {  	[bflag:$0x0] =	sbarrier.arrive $0xFFFF  }
0x97: {  	_ =	strace $0x90000047  }
0x98: {  	s0 =	stileid.u32;
	[bflag:$0x2] =	sbarrier.arrive $0xFFFF  }
0x99: {  	p0 =	sne.s32 s0, $0x0;
	s0 =	rddreg [dreg:$0x5]  }
0x9a: {  	s0 =	sadd.s32 @!p0 $0x100000, s0  }
0x9b: {  	[sflag:s0] =	ssyncadd.tile.s32 @!p0 $0x1;
	_ =	shalt  }
.Lfunc_end2:
_tile_overlayer_lowered:
.L_overlay_start_2:
0x9c: {  	(tag) =	ssettag $0x2  }
0x9d: {  	s0 =	rddreg [dreg:$0x0];
	s2 =	stileid.u32  }
0x9e: {  	s1 =	rddreg [dreg:$0x1];
	p0 =	sne.s32 s2, $0x0  }
0x9f: {  	s3 =	rddreg [dreg:$0x2];
	[bflag:$0x3] =	sbarrier.arrive $0xFFFF;
	s2 =	simm.s32 @!p0 $0x1C03  }
0xa0: {  	[timem:s3], [sflag:s2] =	dma.local @!p0 [hbm:s0], s1  }
0xa1: {  	s0 =	simm.s32 @!p0 $0x3  }
0xa2: {  	_ =	swait.ge @!p0 [sflag:s0], s1  }
0xa3: {  	s1 =	ssub.s32 @!p0 $0x0, s1;
	[sflag:s0] =	ssyncset.done @!p0 $0x0  }
0xa4: {  	[sflag:s0] =	ssyncadd.s32 @!p0 s1  }
0xa5: {  	[bflag:$0x3] =	sbarrier.arrive $0xFFFF  }
0xa6: {  	_ =	shalt  }

</sc_bundles>
